<compile_context>
chip_gen: v7x
topology: tpu7x:2x2x1
jax: 0.10.2.dev20260603
libtpu: 0.0.44.dev20260713+nightly
codegen_flags: <defaults>
</compile_context>

<pallas_src>
import functools

import jax
import jax.numpy as jnp
from jax import lax
from jax.experimental import pallas as pl
from jax.experimental.pallas import tpu as pltpu
from jax.experimental.pallas import tpu_sc as plsc

_N = 10000
_D_IN = 128
_D_H = 64
_ROW_BLK = 2000
_SIM_BLK = 400

_NC = 2
_NS = 16
_NW = _NC * _NS
_CHUNK = 128
_E = 320000
_NBUF = 2
_CH = 80
_E_PAD = _NW * _CH * _CHUNK
_NROWS = 10112
_ZROWS = _NROWS // _NS
_DUMMY = 10008


def _leaky_relu(v):
    return jnp.where(v >= 0, v, 0.01 * v)




def _proj_body(x_ref, wlt_ref, wrt_ref, b_ref, p_ref, r_ref):
    xb = x_ref[...]
    p_ref[...] = jnp.dot(xb, wlt_ref[...], preferred_element_type=jnp.float32)
    r_ref[...] = jnp.dot(xb, wrt_ref[...], preferred_element_type=jnp.float32) + b_ref[...]


def _proj(x, wlt, wrt, b):
    n, d = x.shape
    dh = wlt.shape[1]
    grid = n // _ROW_BLK
    return pl.pallas_call(
        _proj_body,
        grid=(grid,),
        in_specs=[
            pl.BlockSpec((_ROW_BLK, d), lambda i: (i, 0)),
            pl.BlockSpec((d, dh), lambda i: (0, 0)),
            pl.BlockSpec((d, dh), lambda i: (0, 0)),
            pl.BlockSpec((1, dh), lambda i: (0, 0)),
        ],
        out_specs=[
            pl.BlockSpec((_ROW_BLK, dh), lambda i: (i, 0)),
            pl.BlockSpec((_ROW_BLK, dh), lambda i: (i, 0)),
        ],
        out_shape=[
            jax.ShapeDtypeStruct((n, dh), jnp.float32),
            jax.ShapeDtypeStruct((n, dh), jnp.float32),
        ],
    )(x, wlt, wrt, b)




def _combine_proj_body(agg_ref, cnt_ref, r_ref,
                       wlt_ref, wrt_ref, b_ref, p_ref, rr_ref):
    cnt = cnt_ref[0, :, 0:1] + cnt_ref[1, :, 0:1]
    inv = 1.0 / jnp.maximum(cnt, 1.0)
    h = _leaky_relu((agg_ref[0] + agg_ref[1]) * inv + r_ref[...])
    p_ref[...] = jnp.dot(h, wlt_ref[...], preferred_element_type=jnp.float32)
    rr_ref[...] = jnp.dot(h, wrt_ref[...], preferred_element_type=jnp.float32) + b_ref[...]


def _combine_proj(agg, cnt, r, wlt, wrt, b):
    n, dh = r.shape
    grid = n // _ROW_BLK
    return pl.pallas_call(
        _combine_proj_body,
        grid=(grid,),
        in_specs=[
            pl.BlockSpec((_NC, _ROW_BLK, dh), lambda i: (0, i, 0)),
            pl.BlockSpec((_NC, _ROW_BLK, 16), lambda i: (0, i, 0)),
            pl.BlockSpec((_ROW_BLK, dh), lambda i: (i, 0)),
            pl.BlockSpec((dh, dh), lambda i: (0, 0)),
            pl.BlockSpec((dh, dh), lambda i: (0, 0)),
            pl.BlockSpec((1, dh), lambda i: (0, 0)),
        ],
        out_specs=[
            pl.BlockSpec((_ROW_BLK, dh), lambda i: (i, 0)),
            pl.BlockSpec((_ROW_BLK, dh), lambda i: (i, 0)),
        ],
        out_shape=[
            jax.ShapeDtypeStruct((n, dh), jnp.float32),
            jax.ShapeDtypeStruct((n, dh), jnp.float32),
        ],
    )(agg, cnt, r, wlt, wrt, b)




def _combine_fc_body(agg_ref, cnt_ref, r_ref, wt_ref, b_ref, h_ref):
    cnt = cnt_ref[0, :, 0:1] + cnt_ref[1, :, 0:1]
    inv = 1.0 / jnp.maximum(cnt, 1.0)
    g = _leaky_relu((agg_ref[0] + agg_ref[1]) * inv + r_ref[...])
    h_ref[...] = jnp.dot(g, wt_ref[...], preferred_element_type=jnp.float32) + b_ref[...]


def _combine_fc(agg, cnt, r, wt, b):
    n, dh = r.shape
    grid = n // _ROW_BLK
    return pl.pallas_call(
        _combine_fc_body,
        grid=(grid,),
        in_specs=[
            pl.BlockSpec((_NC, _ROW_BLK, dh), lambda i: (0, i, 0)),
            pl.BlockSpec((_NC, _ROW_BLK, 16), lambda i: (0, i, 0)),
            pl.BlockSpec((_ROW_BLK, dh), lambda i: (i, 0)),
            pl.BlockSpec((dh, dh), lambda i: (0, 0)),
            pl.BlockSpec((1, dh), lambda i: (0, 0)),
        ],
        out_specs=pl.BlockSpec((_ROW_BLK, dh), lambda i: (i, 0)),
        out_shape=jax.ShapeDtypeStruct((n, dh), jnp.float32),
    )(agg, cnt, r, wt, b)




def _sim_body(ha_ref, hb_ref, out_ref):
    a = ha_ref[...].astype(jnp.bfloat16)
    b = hb_ref[...].astype(jnp.bfloat16)
    s = jax.lax.dot_general(a, b, (((1,), (1,)), ((), ())),
                            preferred_element_type=jnp.float32)
    out_ref[...] = jax.nn.sigmoid(s)


def _sim(h):
    n, dh = h.shape
    grid = n // _SIM_BLK
    return pl.pallas_call(
        _sim_body,
        grid=(grid,),
        in_specs=[
            pl.BlockSpec((_SIM_BLK, dh), lambda i: (i, 0)),
            pl.BlockSpec((n, dh), lambda i: (0, 0)),
        ],
        out_specs=pl.BlockSpec((_SIM_BLK, n), lambda i: (i, 0)),
        out_shape=jax.ShapeDtypeStruct((n, n), jnp.float32),
    )(h, h)



_SC_MESH = plsc.VectorSubcoreMesh(
    core_axis_name="c", subcore_axis_name="s", num_cores=_NC, num_subcores=_NS)


def _sc_agg(p, src_g, dst_g, zeros_agg, zeros_cnt, ones, with_cnt):
    dh = p.shape[1]
    n = p.shape[0]
    prows = n // _NS
    out_type = [jax.ShapeDtypeStruct((_NC, _NROWS, dh), jnp.float32)]
    scratch = [
        pltpu.VMEM((_CH, _CHUNK), jnp.int32),
        pltpu.VMEM((_CH, _CHUNK), jnp.int32),
        pltpu.VMEM((_NBUF, _CHUNK, dh), jnp.float32),
        pltpu.VMEM_SHARED((n, dh), jnp.float32),
        pltpu.VMEM_SHARED((_NROWS, dh), jnp.float32),
    ] + [pltpu.SemaphoreType.DMA] * _NBUF
    if with_cnt:
        out_type.append(jax.ShapeDtypeStruct((_NC, _NROWS, 16), jnp.float32))
        scratch += [
            pltpu.VMEM((_CHUNK, 16), jnp.float32),
            pltpu.VMEM_SHARED((_NROWS, 16), jnp.float32),
        ]

    @functools.partial(
        pl.kernel, out_type=out_type, mesh=_SC_MESH, scratch_types=scratch,
        compiler_params=pltpu.CompilerParams(use_tc_tiling_on_sc=False))
    def k(*refs):
        if with_cnt:
            (p_hbm, src_hbm, dst_hbm, za_hbm, zc_hbm, ones_hbm,
             agg_out, cnt_out, src_v, dst_v, rows_v, p_sh, agg_sh,
             g0, g1, ones_v, cnt_sh) = refs
        else:
            (p_hbm, src_hbm, dst_hbm, za_hbm, agg_out, src_v, dst_v, rows_v,
             p_sh, agg_sh, g0, g1) = refs
        gsems = (g0, g1)
        c = lax.axis_index("c")
        s = lax.axis_index("s")
        wid = c * _NS + s
        pltpu.sync_copy(p_hbm.at[pl.ds(s * prows, prows), :],
                        p_sh.at[pl.ds(s * prows, prows), :])
        pltpu.sync_copy(za_hbm, agg_sh.at[pl.ds(s * _ZROWS, _ZROWS), :])
        if with_cnt:
            pltpu.sync_copy(zc_hbm, cnt_sh.at[pl.ds(s * _ZROWS, _ZROWS), :])
            pltpu.sync_copy(ones_hbm, ones_v)
        pltpu.sync_copy(src_hbm.at[wid], src_v)
        pltpu.sync_copy(dst_hbm.at[wid], dst_v)

        plsc.subcore_barrier()
        for b in range(_NBUF):
            pltpu.async_copy(p_sh.at[src_v.at[b]], rows_v.at[b], gsems[b])

        @pl.loop(0, _CH, step=_NBUF)
        def _(g):
            for b in range(_NBUF):
                j = g + b
                pltpu.make_async_copy(
                    p_sh.at[src_v.at[j]], rows_v.at[b], gsems[b]).wait()
                pltpu.sync_copy(rows_v.at[b], agg_sh.at[dst_v.at[j]], add=True)
                if with_cnt:
                    pltpu.sync_copy(ones_v, cnt_sh.at[dst_v.at[j]], add=True)

                @pl.when(j + _NBUF < _CH)
                def _():
                    pltpu.async_copy(p_sh.at[src_v.at[j + _NBUF]],
                                     rows_v.at[b], gsems[b])

        plsc.subcore_barrier()
        pltpu.sync_copy(agg_sh.at[pl.ds(s * _ZROWS, _ZROWS), :],
                        agg_out.at[c, pl.ds(s * _ZROWS, _ZROWS), :])
        if with_cnt:
            pltpu.sync_copy(cnt_sh.at[pl.ds(s * _ZROWS, _ZROWS), :],
                            cnt_out.at[c, pl.ds(s * _ZROWS, _ZROWS), :])

    if with_cnt:
        return k(p, src_g, dst_g, zeros_agg, zeros_cnt, ones)
    return k(p, src_g, dst_g, zeros_agg)




def kernel(x, edge_index, W1l, b1, W1r, W2l, b2, W2r, Wfc, bfc):
    pad = _E_PAD - _E
    src_g = jnp.concatenate(
        [edge_index[0], jnp.zeros((pad,), jnp.int32)]).reshape(_NW, _CH, _CHUNK)
    dst_g = jnp.concatenate(
        [edge_index[1], jnp.full((pad,), _DUMMY, jnp.int32)]).reshape(_NW, _CH, _CHUNK)
    zeros_agg = jnp.zeros((_ZROWS, _D_H), jnp.float32)
    zeros_cnt = jnp.zeros((_ZROWS, 16), jnp.float32)
    ones = jnp.ones((_CHUNK, 16), jnp.float32)

    p1, r1 = _proj(x, W1l.T, W1r.T, b1[None, :])
    agg1, cnt_p = _sc_agg(p1, src_g, dst_g, zeros_agg, zeros_cnt, ones, True)

    p2, r2 = _combine_proj(agg1, cnt_p, r1, W2l.T, W2r.T, b2[None, :])
    (agg2,) = _sc_agg(p2, src_g, dst_g, zeros_agg, None, None, False)

    h = _combine_fc(agg2, cnt_p, r2, Wfc.T, bfc[None, :])
    return _sim(h)

# --- scband reference (transcript-rebuilt; emitter-appended) ---
"""Pipeline reference for scband-community-detection-gnn-35115652612509 (READ-ONLY COPY).

The authoritative reference and input builder live on the scoring server;
editing this copy changes nothing except your own understanding.
"""

import jax, jax.numpy as jnp
import numpy as np

N = 10000
E = 320000
D_IN = 128
D_H = 64


def setup_inputs(seed: int = 0) -> dict:
    key = jax.random.key(seed)
    ks = jax.random.split(key, 12)
    x = jax.random.normal(ks[0], (N, D_IN), dtype=jnp.float32)
    edge_index = jax.random.randint(ks[1], (2, E), 0, N, dtype=jnp.int32)
    s1 = 1.0 / np.sqrt(D_IN)
    s2 = 1.0 / np.sqrt(D_H)
    W1l = jax.random.uniform(ks[2], (D_H, D_IN), jnp.float32, -s1, s1)
    b1 = jax.random.uniform(ks[3], (D_H,), jnp.float32, -s1, s1)
    W1r = jax.random.uniform(ks[4], (D_H, D_IN), jnp.float32, -s1, s1)
    W2l = jax.random.uniform(ks[5], (D_H, D_H), jnp.float32, -s2, s2)
    b2 = jax.random.uniform(ks[6], (D_H,), jnp.float32, -s2, s2)
    W2r = jax.random.uniform(ks[7], (D_H, D_H), jnp.float32, -s2, s2)
    Wfc = jax.random.uniform(ks[8], (D_H, D_H), jnp.float32, -s2, s2)
    bfc = jax.random.uniform(ks[9], (D_H,), jnp.float32, -s2, s2)
    return {"x": x, "edge_index": edge_index, "W1l": W1l, "b1": b1, "W1r": W1r,
            "W2l": W2l, "b2": b2, "W2r": W2r, "Wfc": Wfc, "bfc": bfc}


def _sage_conv(x, src, dst, Wl, bl, Wr):
    # SAGEConv with mean aggregation: out_i = Wl * mean_{j->i} x_j + bl + Wr * x_i
    n = x.shape[0]
    agg = jnp.zeros((n, x.shape[1]), dtype=x.dtype).at[dst].add(x[src])
    cnt = jnp.zeros((n,), dtype=x.dtype).at[dst].add(1.0)
    mean = agg / jnp.maximum(cnt, 1.0)[:, None]
    return mean @ Wl.T + bl + x @ Wr.T


def reference(x, edge_index, W1l, b1, W1r, W2l, b2, W2r, Wfc, bfc):
    src = edge_index[0]
    dst = edge_index[1]
    h = _sage_conv(x, src, dst, W1l, b1, W1r)
    h = jax.nn.leaky_relu(h, negative_slope=0.01)
    # dropout is identity in eval mode
    h = _sage_conv(h, src, dst, W2l, b2, W2r)
    h = jax.nn.leaky_relu(h, negative_slope=0.01)
    h = h @ Wfc.T + bfc
    sim = h @ h.T
    return jax.nn.sigmoid(sim)

if __name__ == "__main__":
    import jax
    _d = setup_inputs()
    print(jax.jit(kernel)(*tuple(_d.values())))

</pallas_src>

<mosaic_0001>
#map = affine_map<(d0, d1) -> (0, 0)>
#map1 = affine_map<(d0, d1) -> (0, 0, 0)>
module attributes {stable_mosaic.version = 14 : i64} {
  func.func @k(%arg0: i32, %arg1: i32, %arg2: memref<10000x64xf32, #tpu.memory_space<hbm>>, %arg3: memref<32x80x128xi32, #tpu.memory_space<hbm>>, %arg4: memref<32x80x128xi32, #tpu.memory_space<hbm>>, %arg5: memref<632x64xf32, #tpu.memory_space<hbm>>, %arg6: memref<632x16xf32, #tpu.memory_space<hbm>>, %arg7: memref<128x16xf32, #tpu.memory_space<hbm>>, %arg8: memref<2x10112x64xf32, #tpu.memory_space<hbm>>, %arg9: memref<2x10112x16xf32, #tpu.memory_space<hbm>>, %arg10: memref<80x128xi32, #tpu.memory_space<vmem>>, %arg11: memref<80x128xi32, #tpu.memory_space<vmem>>, %arg12: memref<2x128x64xf32, #tpu.memory_space<vmem>>, %arg13: memref<10000x64xf32, #tpu.memory_space<vmem_shared>>, %arg14: memref<10112x64xf32, #tpu.memory_space<vmem_shared>>, %arg15: memref<!tpu.dma_semaphore, #tpu.memory_space<semaphore_mem>>, %arg16: memref<!tpu.dma_semaphore, #tpu.memory_space<semaphore_mem>>, %arg17: memref<128x16xf32, #tpu.memory_space<vmem>>, %arg18: memref<10112x16xf32, #tpu.memory_space<vmem_shared>>) attributes {dimension_semantics = [#tpu.dimension_semantics<core_parallel>, #tpu.dimension_semantics<subcore_parallel>], iteration_bounds = array<i64: 2, 16>, scalar_prefetch = 0 : i64, scratch_operands = 9 : i64, tpu.core_type = #tpu.core_type<sc_vector_subcore>, window_params = [{transform_indices = #map}, {transform_indices = #map1}, {transform_indices = #map1}, {transform_indices = #map}, {transform_indices = #map}, {transform_indices = #map}, {transform_indices = #map1}, {transform_indices = #map1}]} {
    %mul3A = arith.constant 16 : i32
    %mul3A_0 = arith.muli %arg0, %mul3A : i32
    %add3A = arith.addi %mul3A_0, %arg1 : i32
    %mul3A_1 = arith.constant 625 : i32
    %mul3A_2 = arith.muli %arg1, %mul3A_1 : i32
    %mul3A_3 = arith.constant 625 : i32
    %mul3A_4 = arith.muli %arg1, %mul3A_3 : i32
    "tpu.region"() ({
      %run_scoped3A = tpu.sem_alloc : memref<!tpu.dma_semaphore, #tpu.memory_space<semaphore_mem>>
      %dma_start3A_45 = arith.constant 0 : i32
      %dma_start3A_46 = tpu.memref_slice %arg13[%mul3A_4, %dma_start3A_45] : memref<10000x64xf32, #tpu.memory_space<vmem_shared>> -> memref<625x64xf32, #tpu.memory_space<vmem_shared>>
      %dma_start3A_47 = arith.constant 0 : i32
      %dma_start3A_48 = tpu.memref_slice %arg2[%mul3A_2, %dma_start3A_47] : memref<10000x64xf32, #tpu.memory_space<hbm>> -> memref<625x64xf32, #tpu.memory_space<hbm>>
      tpu.enqueue_dma source(%dma_start3A_48 : memref<625x64xf32, #tpu.memory_space<hbm>>) target(%dma_start3A_46 : memref<625x64xf32, #tpu.memory_space<vmem_shared>>) target_semaphore(%run_scoped3A : memref<!tpu.dma_semaphore, #tpu.memory_space<semaphore_mem>>)
      %dma_wait3A = arith.constant 0 : i32
      %dma_wait3A_49 = tpu.memref_slice %arg13[%mul3A_4, %dma_wait3A] : memref<10000x64xf32, #tpu.memory_space<vmem_shared>> -> memref<625x64xf32, #tpu.memory_space<vmem_shared>>
      %dma_wait3A_50 = arith.constant 0 : i32
      %dma_wait3A_51 = tpu.memref_slice %arg2[%mul3A_2, %dma_wait3A_50] : memref<10000x64xf32, #tpu.memory_space<hbm>> -> memref<625x64xf32, #tpu.memory_space<hbm>>
      tpu.wait_dma2 semaphore(%run_scoped3A : memref<!tpu.dma_semaphore, #tpu.memory_space<semaphore_mem>>) src(%dma_wait3A_51 : memref<625x64xf32, #tpu.memory_space<hbm>>) dst(%dma_wait3A_49 : memref<625x64xf32, #tpu.memory_space<vmem_shared>>)
      tpu.yield
    }) : () -> ()
    %mul3A_5 = arith.constant 632 : i32
    %mul3A_6 = arith.muli %arg1, %mul3A_5 : i32
    "tpu.region"() ({
      %run_scoped3A = tpu.sem_alloc : memref<!tpu.dma_semaphore, #tpu.memory_space<semaphore_mem>>
      %dma_start3A_45 = arith.constant 0 : i32
      %dma_start3A_46 = tpu.memref_slice %arg14[%mul3A_6, %dma_start3A_45] : memref<10112x64xf32, #tpu.memory_space<vmem_shared>> -> memref<632x64xf32, #tpu.memory_space<vmem_shared>>
      tpu.enqueue_dma source(%arg5 : memref<632x64xf32, #tpu.memory_space<hbm>>) target(%dma_start3A_46 : memref<632x64xf32, #tpu.memory_space<vmem_shared>>) target_semaphore(%run_scoped3A : memref<!tpu.dma_semaphore, #tpu.memory_space<semaphore_mem>>)
      %dma_wait3A = arith.constant 0 : i32
      %dma_wait3A_47 = tpu.memref_slice %arg14[%mul3A_6, %dma_wait3A] : memref<10112x64xf32, #tpu.memory_space<vmem_shared>> -> memref<632x64xf32, #tpu.memory_space<vmem_shared>>
      tpu.wait_dma2 semaphore(%run_scoped3A : memref<!tpu.dma_semaphore, #tpu.memory_space<semaphore_mem>>) src(%arg5 : memref<632x64xf32, #tpu.memory_space<hbm>>) dst(%dma_wait3A_47 : memref<632x64xf32, #tpu.memory_space<vmem_shared>>)
      tpu.yield
    }) : () -> ()
    %mul3A_7 = arith.constant 632 : i32
    %mul3A_8 = arith.muli %arg1, %mul3A_7 : i32
    "tpu.region"() ({
      %run_scoped3A = tpu.sem_alloc : memref<!tpu.dma_semaphore, #tpu.memory_space<semaphore_mem>>
      %dma_start3A_45 = arith.constant 0 : i32
      %dma_start3A_46 = tpu.memref_slice %arg18[%mul3A_8, %dma_start3A_45] : memref<10112x16xf32, #tpu.memory_space<vmem_shared>> -> memref<632x16xf32, #tpu.memory_space<vmem_shared>>
      tpu.enqueue_dma source(%arg6 : memref<632x16xf32, #tpu.memory_space<hbm>>) target(%dma_start3A_46 : memref<632x16xf32, #tpu.memory_space<vmem_shared>>) target_semaphore(%run_scoped3A : memref<!tpu.dma_semaphore, #tpu.memory_space<semaphore_mem>>)
      %dma_wait3A = arith.constant 0 : i32
      %dma_wait3A_47 = tpu.memref_slice %arg18[%mul3A_8, %dma_wait3A] : memref<10112x16xf32, #tpu.memory_space<vmem_shared>> -> memref<632x16xf32, #tpu.memory_space<vmem_shared>>
      tpu.wait_dma2 semaphore(%run_scoped3A : memref<!tpu.dma_semaphore, #tpu.memory_space<semaphore_mem>>) src(%arg6 : memref<632x16xf32, #tpu.memory_space<hbm>>) dst(%dma_wait3A_47 : memref<632x16xf32, #tpu.memory_space<vmem_shared>>)
      tpu.yield
    }) : () -> ()
    "tpu.region"() ({
      %run_scoped3A = tpu.sem_alloc : memref<!tpu.dma_semaphore, #tpu.memory_space<semaphore_mem>>
      tpu.enqueue_dma source(%arg7 : memref<128x16xf32, #tpu.memory_space<hbm>>) target(%arg17 : memref<128x16xf32, #tpu.memory_space<vmem>>) target_semaphore(%run_scoped3A : memref<!tpu.dma_semaphore, #tpu.memory_space<semaphore_mem>>)
      tpu.wait_dma2 semaphore(%run_scoped3A : memref<!tpu.dma_semaphore, #tpu.memory_space<semaphore_mem>>) src(%arg7 : memref<128x16xf32, #tpu.memory_space<hbm>>) dst(%arg17 : memref<128x16xf32, #tpu.memory_space<vmem>>)
      tpu.yield
    }) : () -> ()
    "tpu.region"() ({
      %run_scoped3A = tpu.sem_alloc : memref<!tpu.dma_semaphore, #tpu.memory_space<semaphore_mem>>
      %dma_start3A_45 = arith.constant 0 : i32
      %dma_start3A_46 = arith.constant 0 : i32
      %dma_start3A_47 = tpu.memref_slice %arg3[%add3A, %dma_start3A_45, %dma_start3A_46] : memref<32x80x128xi32, #tpu.memory_space<hbm>> -> memref<1x80x128xi32, #tpu.memory_space<hbm>>
      %dma_start3A_48 = tpu.memref_squeeze %dma_start3A_47 : memref<1x80x128xi32, #tpu.memory_space<hbm>> -> memref<80x128xi32, #tpu.memory_space<hbm>>
      %dma_start3A_49 = arith.constant 0 : i32
      %dma_start3A_50 = arith.constant 0 : i32
      %dma_start3A_51 = tpu.memref_slice %arg3[%add3A, %dma_start3A_49, %dma_start3A_50] : memref<32x80x128xi32, #tpu.memory_space<hbm>> -> memref<1x80x128xi32, #tpu.memory_space<hbm>>
      %dma_start3A_52 = tpu.memref_squeeze %dma_start3A_51 : memref<1x80x128xi32, #tpu.memory_space<hbm>> -> memref<80x128xi32, #tpu.memory_space<hbm>>
      tpu.enqueue_dma source(%dma_start3A_52 : memref<80x128xi32, #tpu.memory_space<hbm>>) target(%arg10 : memref<80x128xi32, #tpu.memory_space<vmem>>) target_semaphore(%run_scoped3A : memref<!tpu.dma_semaphore, #tpu.memory_space<semaphore_mem>>)
      %dma_wait3A = arith.constant 0 : i32
      %dma_wait3A_53 = arith.constant 0 : i32
      %dma_wait3A_54 = tpu.memref_slice %arg3[%add3A, %dma_wait3A, %dma_wait3A_53] : memref<32x80x128xi32, #tpu.memory_space<hbm>> -> memref<1x80x128xi32, #tpu.memory_space<hbm>>
      %dma_wait3A_55 = tpu.memref_squeeze %dma_wait3A_54 : memref<1x80x128xi32, #tpu.memory_space<hbm>> -> memref<80x128xi32, #tpu.memory_space<hbm>>
      %dma_wait3A_56 = arith.constant 0 : i32
      %dma_wait3A_57 = arith.constant 0 : i32
      %dma_wait3A_58 = tpu.memref_slice %arg3[%add3A, %dma_wait3A_56, %dma_wait3A_57] : memref<32x80x128xi32, #tpu.memory_space<hbm>> -> memref<1x80x128xi32, #tpu.memory_space<hbm>>
      %dma_wait3A_59 = tpu.memref_squeeze %dma_wait3A_58 : memref<1x80x128xi32, #tpu.memory_space<hbm>> -> memref<80x128xi32, #tpu.memory_space<hbm>>
      tpu.wait_dma2 semaphore(%run_scoped3A : memref<!tpu.dma_semaphore, #tpu.memory_space<semaphore_mem>>) src(%dma_wait3A_59 : memref<80x128xi32, #tpu.memory_space<hbm>>) dst(%arg10 : memref<80x128xi32, #tpu.memory_space<vmem>>)
      tpu.yield
    }) : () -> ()
    "tpu.region"() ({
      %run_scoped3A = tpu.sem_alloc : memref<!tpu.dma_semaphore, #tpu.memory_space<semaphore_mem>>
      %dma_start3A_45 = arith.constant 0 : i32
      %dma_start3A_46 = arith.constant 0 : i32
      %dma_start3A_47 = tpu.memref_slice %arg4[%add3A, %dma_start3A_45, %dma_start3A_46] : memref<32x80x128xi32, #tpu.memory_space<hbm>> -> memref<1x80x128xi32, #tpu.memory_space<hbm>>
      %dma_start3A_48 = tpu.memref_squeeze %dma_start3A_47 : memref<1x80x128xi32, #tpu.memory_space<hbm>> -> memref<80x128xi32, #tpu.memory_space<hbm>>
      %dma_start3A_49 = arith.constant 0 : i32
      %dma_start3A_50 = arith.constant 0 : i32
      %dma_start3A_51 = tpu.memref_slice %arg4[%add3A, %dma_start3A_49, %dma_start3A_50] : memref<32x80x128xi32, #tpu.memory_space<hbm>> -> memref<1x80x128xi32, #tpu.memory_space<hbm>>
      %dma_start3A_52 = tpu.memref_squeeze %dma_start3A_51 : memref<1x80x128xi32, #tpu.memory_space<hbm>> -> memref<80x128xi32, #tpu.memory_space<hbm>>
      tpu.enqueue_dma source(%dma_start3A_52 : memref<80x128xi32, #tpu.memory_space<hbm>>) target(%arg11 : memref<80x128xi32, #tpu.memory_space<vmem>>) target_semaphore(%run_scoped3A : memref<!tpu.dma_semaphore, #tpu.memory_space<semaphore_mem>>)
      %dma_wait3A = arith.constant 0 : i32
      %dma_wait3A_53 = arith.constant 0 : i32
      %dma_wait3A_54 = tpu.memref_slice %arg4[%add3A, %dma_wait3A, %dma_wait3A_53] : memref<32x80x128xi32, #tpu.memory_space<hbm>> -> memref<1x80x128xi32, #tpu.memory_space<hbm>>
      %dma_wait3A_55 = tpu.memref_squeeze %dma_wait3A_54 : memref<1x80x128xi32, #tpu.memory_space<hbm>> -> memref<80x128xi32, #tpu.memory_space<hbm>>
      %dma_wait3A_56 = arith.constant 0 : i32
      %dma_wait3A_57 = arith.constant 0 : i32
      %dma_wait3A_58 = tpu.memref_slice %arg4[%add3A, %dma_wait3A_56, %dma_wait3A_57] : memref<32x80x128xi32, #tpu.memory_space<hbm>> -> memref<1x80x128xi32, #tpu.memory_space<hbm>>
      %dma_wait3A_59 = tpu.memref_squeeze %dma_wait3A_58 : memref<1x80x128xi32, #tpu.memory_space<hbm>> -> memref<80x128xi32, #tpu.memory_space<hbm>>
      tpu.wait_dma2 semaphore(%run_scoped3A : memref<!tpu.dma_semaphore, #tpu.memory_space<semaphore_mem>>) src(%dma_wait3A_59 : memref<80x128xi32, #tpu.memory_space<hbm>>) dst(%arg11 : memref<80x128xi32, #tpu.memory_space<vmem>>)
      tpu.yield
    }) : () -> ()
    %barrier3A = arith.constant 0 : index
    tpu.barrier barrier_id(%barrier3A)
    %dma_start3A = arith.constant 0 : i32
    %dma_start3A_9 = arith.constant 0 : i32
    %dma_start3A_10 = arith.constant 0 : i32
    %dma_start3A_11 = arith.constant 0 : i32
    %dma_start3A_12 = tpu.memref_slice %arg12[%dma_start3A_9, %dma_start3A_10, %dma_start3A_11] : memref<2x128x64xf32, #tpu.memory_space<vmem>> -> memref<1x128x64xf32, #tpu.memory_space<vmem>>
    %dma_start3A_13 = tpu.memref_squeeze %dma_start3A_12 : memref<1x128x64xf32, #tpu.memory_space<vmem>> -> memref<128x64xf32, #tpu.memory_space<vmem>>
    %dma_start3A_14 = arith.constant 0 : i32
    %dma_start3A_15 = tpu.memref_slice %arg10[%dma_start3A, %dma_start3A_14] : memref<80x128xi32, #tpu.memory_space<vmem>> -> memref<1x128xi32, #tpu.memory_space<vmem>>
    %dma_start3A_16 = tpu.memref_squeeze %dma_start3A_15 : memref<1x128xi32, #tpu.memory_space<vmem>> -> memref<128xi32, #tpu.memory_space<vmem>>
    %dma_start3A_17 = arith.constant 0 : i32
    %dma_start3A_18 = arith.constant 0 : i32
    %dma_start3A_19 = tpu.memref_slice %arg13[%dma_start3A_17, %dma_start3A_18] : memref<10000x64xf32, #tpu.memory_space<vmem_shared>> -> memref<10000x64xf32, #tpu.memory_space<vmem_shared>>
    tpu.enqueue_indirect_dma source(%dma_start3A_19 : memref<10000x64xf32, #tpu.memory_space<vmem_shared>>) target(%dma_start3A_13 : memref<128x64xf32, #tpu.memory_space<vmem>>) offsets(%dma_start3A_16 : memref<128xi32, #tpu.memory_space<vmem>>) semaphore(%arg15 : memref<!tpu.dma_semaphore, #tpu.memory_space<semaphore_mem>>)
    %dma_start3A_20 = arith.constant 1 : i32
    %dma_start3A_21 = arith.constant 1 : i32
    %dma_start3A_22 = arith.constant 0 : i32
    %dma_start3A_23 = arith.constant 0 : i32
    %dma_start3A_24 = tpu.memref_slice %arg12[%dma_start3A_21, %dma_start3A_22, %dma_start3A_23] : memref<2x128x64xf32, #tpu.memory_space<vmem>> -> memref<1x128x64xf32, #tpu.memory_space<vmem>>
    %dma_start3A_25 = tpu.memref_squeeze %dma_start3A_24 : memref<1x128x64xf32, #tpu.memory_space<vmem>> -> memref<128x64xf32, #tpu.memory_space<vmem>>
    %dma_start3A_26 = arith.constant 0 : i32
    %dma_start3A_27 = tpu.memref_slice %arg10[%dma_start3A_20, %dma_start3A_26] : memref<80x128xi32, #tpu.memory_space<vmem>> -> memref<1x128xi32, #tpu.memory_space<vmem>>
    %dma_start3A_28 = tpu.memref_squeeze %dma_start3A_27 : memref<1x128xi32, #tpu.memory_space<vmem>> -> memref<128xi32, #tpu.memory_space<vmem>>
    %dma_start3A_29 = arith.constant 0 : i32
    %dma_start3A_30 = arith.constant 0 : i32
    %dma_start3A_31 = tpu.memref_slice %arg13[%dma_start3A_29, %dma_start3A_30] : memref<10000x64xf32, #tpu.memory_space<vmem_shared>> -> memref<10000x64xf32, #tpu.memory_space<vmem_shared>>
    tpu.enqueue_indirect_dma source(%dma_start3A_31 : memref<10000x64xf32, #tpu.memory_space<vmem_shared>>) target(%dma_start3A_25 : memref<128x64xf32, #tpu.memory_space<vmem>>) offsets(%dma_start3A_28 : memref<128xi32, #tpu.memory_space<vmem>>) semaphore(%arg16 : memref<!tpu.dma_semaphore, #tpu.memory_space<semaphore_mem>>)
    %scan3A = arith.constant 0 : i32
    %scan3A_32 = arith.constant 40 : i32
    %scan3A_33 = arith.addi %scan3A, %scan3A_32 : i32
    %scan3A_34 = arith.constant 1 : i32
    scf.for %scan3A_45 = %scan3A to %scan3A_33 step %scan3A_34  : i32 {
      %mul3A_46 = arith.constant 2 : i32
      %mul3A_47 = arith.muli %scan3A_45, %mul3A_46 : i32
      %add3A_48 = arith.constant 0 : i32
      %add3A_49 = arith.addi %add3A_48, %mul3A_47 : i32
      %add3A_50 = arith.constant 0 : i32
      %add3A_51 = arith.addi %add3A_49, %add3A_50 : i32
      %dma_wait3A = arith.constant 0 : i32
      %dma_wait3A_52 = arith.constant 0 : i32
      %dma_wait3A_53 = arith.constant 0 : i32
      %dma_wait3A_54 = tpu.memref_slice %arg12[%dma_wait3A, %dma_wait3A_52, %dma_wait3A_53] : memref<2x128x64xf32, #tpu.memory_space<vmem>> -> memref<1x128x64xf32, #tpu.memory_space<vmem>>
      %dma_wait3A_55 = tpu.memref_squeeze %dma_wait3A_54 : memref<1x128x64xf32, #tpu.memory_space<vmem>> -> memref<128x64xf32, #tpu.memory_space<vmem>>
      %dma_wait3A_56 = arith.constant 0 : i32
      %dma_wait3A_57 = tpu.memref_slice %arg10[%add3A_51, %dma_wait3A_56] : memref<80x128xi32, #tpu.memory_space<vmem>> -> memref<1x128xi32, #tpu.memory_space<vmem>>
      %dma_wait3A_58 = tpu.memref_squeeze %dma_wait3A_57 : memref<1x128xi32, #tpu.memory_space<vmem>> -> memref<128xi32, #tpu.memory_space<vmem>>
      %dma_wait3A_59 = arith.constant 0 : i32
      %dma_wait3A_60 = arith.constant 0 : i32
      %dma_wait3A_61 = tpu.memref_slice %arg13[%dma_wait3A_59, %dma_wait3A_60] : memref<10000x64xf32, #tpu.memory_space<vmem_shared>> -> memref<10000x64xf32, #tpu.memory_space<vmem_shared>>
      tpu.wait_indirect_dma semaphore(%arg15 : memref<!tpu.dma_semaphore, #tpu.memory_space<semaphore_mem>>) src(%dma_wait3A_61 : memref<10000x64xf32, #tpu.memory_space<vmem_shared>>) dst(%dma_wait3A_55 : memref<128x64xf32, #tpu.memory_space<vmem>>)
      %run_scoped3A = arith.constant 0 : i32
      "tpu.region"() ({
        %run_scoped3A_87 = tpu.sem_alloc : memref<!tpu.dma_semaphore, #tpu.memory_space<semaphore_mem>>
        %dma_start3A_88 = arith.constant 0 : i32
        %dma_start3A_89 = arith.constant 0 : i32
        %dma_start3A_90 = tpu.memref_slice %arg12[%run_scoped3A, %dma_start3A_88, %dma_start3A_89] : memref<2x128x64xf32, #tpu.memory_space<vmem>> -> memref<1x128x64xf32, #tpu.memory_space<vmem>>
        %dma_start3A_91 = tpu.memref_squeeze %dma_start3A_90 : memref<1x128x64xf32, #tpu.memory_space<vmem>> -> memref<128x64xf32, #tpu.memory_space<vmem>>
        %dma_start3A_92 = arith.constant 0 : i32
        %dma_start3A_93 = tpu.memref_slice %arg11[%add3A_51, %dma_start3A_92] : memref<80x128xi32, #tpu.memory_space<vmem>> -> memref<1x128xi32, #tpu.memory_space<vmem>>
        %dma_start3A_94 = tpu.memref_squeeze %dma_start3A_93 : memref<1x128xi32, #tpu.memory_space<vmem>> -> memref<128xi32, #tpu.memory_space<vmem>>
        %dma_start3A_95 = arith.constant 0 : i32
        %dma_start3A_96 = arith.constant 0 : i32
        %dma_start3A_97 = tpu.memref_slice %arg14[%dma_start3A_95, %dma_start3A_96] : memref<10112x64xf32, #tpu.memory_space<vmem_shared>> -> memref<10112x64xf32, #tpu.memory_space<vmem_shared>>
        tpu.enqueue_indirect_dma source(%dma_start3A_91 : memref<128x64xf32, #tpu.memory_space<vmem>>) target(%dma_start3A_97 : memref<10112x64xf32, #tpu.memory_space<vmem_shared>>) offsets(%dma_start3A_94 : memref<128xi32, #tpu.memory_space<vmem>>) semaphore(%run_scoped3A_87 : memref<!tpu.dma_semaphore, #tpu.memory_space<semaphore_mem>>) {add = true}
        %dma_wait3A_98 = arith.constant 0 : i32
        %dma_wait3A_99 = arith.constant 0 : i32
        %dma_wait3A_100 = tpu.memref_slice %arg12[%run_scoped3A, %dma_wait3A_98, %dma_wait3A_99] : memref<2x128x64xf32, #tpu.memory_space<vmem>> -> memref<1x128x64xf32, #tpu.memory_space<vmem>>
        %dma_wait3A_101 = tpu.memref_squeeze %dma_wait3A_100 : memref<1x128x64xf32, #tpu.memory_space<vmem>> -> memref<128x64xf32, #tpu.memory_space<vmem>>
        %dma_wait3A_102 = arith.constant 0 : i32
        %dma_wait3A_103 = tpu.memref_slice %arg11[%add3A_51, %dma_wait3A_102] : memref<80x128xi32, #tpu.memory_space<vmem>> -> memref<1x128xi32, #tpu.memory_space<vmem>>
        %dma_wait3A_104 = tpu.memref_squeeze %dma_wait3A_103 : memref<1x128xi32, #tpu.memory_space<vmem>> -> memref<128xi32, #tpu.memory_space<vmem>>
        %dma_wait3A_105 = arith.constant 0 : i32
        %dma_wait3A_106 = arith.constant 0 : i32
        %dma_wait3A_107 = tpu.memref_slice %arg14[%dma_wait3A_105, %dma_wait3A_106] : memref<10112x64xf32, #tpu.memory_space<vmem_shared>> -> memref<10112x64xf32, #tpu.memory_space<vmem_shared>>
        tpu.wait_indirect_dma semaphore(%run_scoped3A_87 : memref<!tpu.dma_semaphore, #tpu.memory_space<semaphore_mem>>) src(%dma_wait3A_101 : memref<128x64xf32, #tpu.memory_space<vmem>>) dst(%dma_wait3A_107 : memref<10112x64xf32, #tpu.memory_space<vmem_shared>>)
        tpu.yield
      }) : () -> ()
      "tpu.region"() ({
        %run_scoped3A_87 = tpu.sem_alloc : memref<!tpu.dma_semaphore, #tpu.memory_space<semaphore_mem>>
        %dma_start3A_88 = arith.constant 0 : i32
        %dma_start3A_89 = tpu.memref_slice %arg11[%add3A_51, %dma_start3A_88] : memref<80x128xi32, #tpu.memory_space<vmem>> -> memref<1x128xi32, #tpu.memory_space<vmem>>
        %dma_start3A_90 = tpu.memref_squeeze %dma_start3A_89 : memref<1x128xi32, #tpu.memory_space<vmem>> -> memref<128xi32, #tpu.memory_space<vmem>>
        %dma_start3A_91 = arith.constant 0 : i32
        %dma_start3A_92 = arith.constant 0 : i32
        %dma_start3A_93 = tpu.memref_slice %arg18[%dma_start3A_91, %dma_start3A_92] : memref<10112x16xf32, #tpu.memory_space<vmem_shared>> -> memref<10112x16xf32, #tpu.memory_space<vmem_shared>>
        tpu.enqueue_indirect_dma source(%arg17 : memref<128x16xf32, #tpu.memory_space<vmem>>) target(%dma_start3A_93 : memref<10112x16xf32, #tpu.memory_space<vmem_shared>>) offsets(%dma_start3A_90 : memref<128xi32, #tpu.memory_space<vmem>>) semaphore(%run_scoped3A_87 : memref<!tpu.dma_semaphore, #tpu.memory_space<semaphore_mem>>) {add = true}
        %dma_wait3A_94 = arith.constant 0 : i32
        %dma_wait3A_95 = tpu.memref_slice %arg11[%add3A_51, %dma_wait3A_94] : memref<80x128xi32, #tpu.memory_space<vmem>> -> memref<1x128xi32, #tpu.memory_space<vmem>>
        %dma_wait3A_96 = tpu.memref_squeeze %dma_wait3A_95 : memref<1x128xi32, #tpu.memory_space<vmem>> -> memref<128xi32, #tpu.memory_space<vmem>>
        %dma_wait3A_97 = arith.constant 0 : i32
        %dma_wait3A_98 = arith.constant 0 : i32
        %dma_wait3A_99 = tpu.memref_slice %arg18[%dma_wait3A_97, %dma_wait3A_98] : memref<10112x16xf32, #tpu.memory_space<vmem_shared>> -> memref<10112x16xf32, #tpu.memory_space<vmem_shared>>
        tpu.wait_indirect_dma semaphore(%run_scoped3A_87 : memref<!tpu.dma_semaphore, #tpu.memory_space<semaphore_mem>>) src(%arg17 : memref<128x16xf32, #tpu.memory_space<vmem>>) dst(%dma_wait3A_99 : memref<10112x16xf32, #tpu.memory_space<vmem_shared>>)
        tpu.yield
      }) : () -> ()
      %add3A_62 = arith.constant 2 : i32
      %add3A_63 = arith.addi %add3A_51, %add3A_62 : i32
      %lt3A = arith.constant 80 : i32
      %lt3A_64 = arith.cmpi slt, %add3A_63, %lt3A : i32
      %convert_element_type3A = arith.extui %lt3A_64 : i1 to i32
      %cond3A = arith.constant 0 : i32
      %cond3A_65 = arith.cmpi ne, %convert_element_type3A, %cond3A : i32
      scf.if %cond3A_65 {
        %add3A_87 = arith.constant 2 : i32
        %add3A_88 = arith.addi %add3A_51, %add3A_87 : i32
        %dma_start3A_89 = arith.constant 0 : i32
        %dma_start3A_90 = arith.constant 0 : i32
        %dma_start3A_91 = arith.constant 0 : i32
        %dma_start3A_92 = tpu.memref_slice %arg12[%dma_start3A_89, %dma_start3A_90, %dma_start3A_91] : memref<2x128x64xf32, #tpu.memory_space<vmem>> -> memref<1x128x64xf32, #tpu.memory_space<vmem>>
        %dma_start3A_93 = tpu.memref_squeeze %dma_start3A_92 : memref<1x128x64xf32, #tpu.memory_space<vmem>> -> memref<128x64xf32, #tpu.memory_space<vmem>>
        %dma_start3A_94 = arith.constant 0 : i32
        %dma_start3A_95 = tpu.memref_slice %arg10[%add3A_88, %dma_start3A_94] : memref<80x128xi32, #tpu.memory_space<vmem>> -> memref<1x128xi32, #tpu.memory_space<vmem>>
        %dma_start3A_96 = tpu.memref_squeeze %dma_start3A_95 : memref<1x128xi32, #tpu.memory_space<vmem>> -> memref<128xi32, #tpu.memory_space<vmem>>
        %dma_start3A_97 = arith.constant 0 : i32
        %dma_start3A_98 = arith.constant 0 : i32
        %dma_start3A_99 = tpu.memref_slice %arg13[%dma_start3A_97, %dma_start3A_98] : memref<10000x64xf32, #tpu.memory_space<vmem_shared>> -> memref<10000x64xf32, #tpu.memory_space<vmem_shared>>
        tpu.enqueue_indirect_dma source(%dma_start3A_99 : memref<10000x64xf32, #tpu.memory_space<vmem_shared>>) target(%dma_start3A_93 : memref<128x64xf32, #tpu.memory_space<vmem>>) offsets(%dma_start3A_96 : memref<128xi32, #tpu.memory_space<vmem>>) semaphore(%arg15 : memref<!tpu.dma_semaphore, #tpu.memory_space<semaphore_mem>>)
      } else {
      }
      %add3A_66 = arith.constant 1 : i32
      %add3A_67 = arith.addi %add3A_49, %add3A_66 : i32
      %dma_wait3A_68 = arith.constant 1 : i32
      %dma_wait3A_69 = arith.constant 0 : i32
      %dma_wait3A_70 = arith.constant 0 : i32
      %dma_wait3A_71 = tpu.memref_slice %arg12[%dma_wait3A_68, %dma_wait3A_69, %dma_wait3A_70] : memref<2x128x64xf32, #tpu.memory_space<vmem>> -> memref<1x128x64xf32, #tpu.memory_space<vmem>>
      %dma_wait3A_72 = tpu.memref_squeeze %dma_wait3A_71 : memref<1x128x64xf32, #tpu.memory_space<vmem>> -> memref<128x64xf32, #tpu.memory_space<vmem>>
      %dma_wait3A_73 = arith.constant 0 : i32
      %dma_wait3A_74 = tpu.memref_slice %arg10[%add3A_67, %dma_wait3A_73] : memref<80x128xi32, #tpu.memory_space<vmem>> -> memref<1x128xi32, #tpu.memory_space<vmem>>
      %dma_wait3A_75 = tpu.memref_squeeze %dma_wait3A_74 : memref<1x128xi32, #tpu.memory_space<vmem>> -> memref<128xi32, #tpu.memory_space<vmem>>
      %dma_wait3A_76 = arith.constant 0 : i32
      %dma_wait3A_77 = arith.constant 0 : i32
      %dma_wait3A_78 = tpu.memref_slice %arg13[%dma_wait3A_76, %dma_wait3A_77] : memref<10000x64xf32, #tpu.memory_space<vmem_shared>> -> memref<10000x64xf32, #tpu.memory_space<vmem_shared>>
      tpu.wait_indirect_dma semaphore(%arg16 : memref<!tpu.dma_semaphore, #tpu.memory_space<semaphore_mem>>) src(%dma_wait3A_78 : memref<10000x64xf32, #tpu.memory_space<vmem_shared>>) dst(%dma_wait3A_72 : memref<128x64xf32, #tpu.memory_space<vmem>>)
      %run_scoped3A_79 = arith.constant 1 : i32
      "tpu.region"() ({
        %run_scoped3A_87 = tpu.sem_alloc : memref<!tpu.dma_semaphore, #tpu.memory_space<semaphore_mem>>
        %dma_start3A_88 = arith.constant 0 : i32
        %dma_start3A_89 = arith.constant 0 : i32
        %dma_start3A_90 = tpu.memref_slice %arg12[%run_scoped3A_79, %dma_start3A_88, %dma_start3A_89] : memref<2x128x64xf32, #tpu.memory_space<vmem>> -> memref<1x128x64xf32, #tpu.memory_space<vmem>>
        %dma_start3A_91 = tpu.memref_squeeze %dma_start3A_90 : memref<1x128x64xf32, #tpu.memory_space<vmem>> -> memref<128x64xf32, #tpu.memory_space<vmem>>
        %dma_start3A_92 = arith.constant 0 : i32
        %dma_start3A_93 = tpu.memref_slice %arg11[%add3A_67, %dma_start3A_92] : memref<80x128xi32, #tpu.memory_space<vmem>> -> memref<1x128xi32, #tpu.memory_space<vmem>>
        %dma_start3A_94 = tpu.memref_squeeze %dma_start3A_93 : memref<1x128xi32, #tpu.memory_space<vmem>> -> memref<128xi32, #tpu.memory_space<vmem>>
        %dma_start3A_95 = arith.constant 0 : i32
        %dma_start3A_96 = arith.constant 0 : i32
        %dma_start3A_97 = tpu.memref_slice %arg14[%dma_start3A_95, %dma_start3A_96] : memref<10112x64xf32, #tpu.memory_space<vmem_shared>> -> memref<10112x64xf32, #tpu.memory_space<vmem_shared>>
        tpu.enqueue_indirect_dma source(%dma_start3A_91 : memref<128x64xf32, #tpu.memory_space<vmem>>) target(%dma_start3A_97 : memref<10112x64xf32, #tpu.memory_space<vmem_shared>>) offsets(%dma_start3A_94 : memref<128xi32, #tpu.memory_space<vmem>>) semaphore(%run_scoped3A_87 : memref<!tpu.dma_semaphore, #tpu.memory_space<semaphore_mem>>) {add = true}
        %dma_wait3A_98 = arith.constant 0 : i32
        %dma_wait3A_99 = arith.constant 0 : i32
        %dma_wait3A_100 = tpu.memref_slice %arg12[%run_scoped3A_79, %dma_wait3A_98, %dma_wait3A_99] : memref<2x128x64xf32, #tpu.memory_space<vmem>> -> memref<1x128x64xf32, #tpu.memory_space<vmem>>
        %dma_wait3A_101 = tpu.memref_squeeze %dma_wait3A_100 : memref<1x128x64xf32, #tpu.memory_space<vmem>> -> memref<128x64xf32, #tpu.memory_space<vmem>>
        %dma_wait3A_102 = arith.constant 0 : i32
        %dma_wait3A_103 = tpu.memref_slice %arg11[%add3A_67, %dma_wait3A_102] : memref<80x128xi32, #tpu.memory_space<vmem>> -> memref<1x128xi32, #tpu.memory_space<vmem>>
        %dma_wait3A_104 = tpu.memref_squeeze %dma_wait3A_103 : memref<1x128xi32, #tpu.memory_space<vmem>> -> memref<128xi32, #tpu.memory_space<vmem>>
        %dma_wait3A_105 = arith.constant 0 : i32
        %dma_wait3A_106 = arith.constant 0 : i32
        %dma_wait3A_107 = tpu.memref_slice %arg14[%dma_wait3A_105, %dma_wait3A_106] : memref<10112x64xf32, #tpu.memory_space<vmem_shared>> -> memref<10112x64xf32, #tpu.memory_space<vmem_shared>>
        tpu.wait_indirect_dma semaphore(%run_scoped3A_87 : memref<!tpu.dma_semaphore, #tpu.memory_space<semaphore_mem>>) src(%dma_wait3A_101 : memref<128x64xf32, #tpu.memory_space<vmem>>) dst(%dma_wait3A_107 : memref<10112x64xf32, #tpu.memory_space<vmem_shared>>)
        tpu.yield
      }) : () -> ()
      "tpu.region"() ({
        %run_scoped3A_87 = tpu.sem_alloc : memref<!tpu.dma_semaphore, #tpu.memory_space<semaphore_mem>>
        %dma_start3A_88 = arith.constant 0 : i32
        %dma_start3A_89 = tpu.memref_slice %arg11[%add3A_67, %dma_start3A_88] : memref<80x128xi32, #tpu.memory_space<vmem>> -> memref<1x128xi32, #tpu.memory_space<vmem>>
        %dma_start3A_90 = tpu.memref_squeeze %dma_start3A_89 : memref<1x128xi32, #tpu.memory_space<vmem>> -> memref<128xi32, #tpu.memory_space<vmem>>
        %dma_start3A_91 = arith.constant 0 : i32
        %dma_start3A_92 = arith.constant 0 : i32
        %dma_start3A_93 = tpu.memref_slice %arg18[%dma_start3A_91, %dma_start3A_92] : memref<10112x16xf32, #tpu.memory_space<vmem_shared>> -> memref<10112x16xf32, #tpu.memory_space<vmem_shared>>
        tpu.enqueue_indirect_dma source(%arg17 : memref<128x16xf32, #tpu.memory_space<vmem>>) target(%dma_start3A_93 : memref<10112x16xf32, #tpu.memory_space<vmem_shared>>) offsets(%dma_start3A_90 : memref<128xi32, #tpu.memory_space<vmem>>) semaphore(%run_scoped3A_87 : memref<!tpu.dma_semaphore, #tpu.memory_space<semaphore_mem>>) {add = true}
        %dma_wait3A_94 = arith.constant 0 : i32
        %dma_wait3A_95 = tpu.memref_slice %arg11[%add3A_67, %dma_wait3A_94] : memref<80x128xi32, #tpu.memory_space<vmem>> -> memref<1x128xi32, #tpu.memory_space<vmem>>
        %dma_wait3A_96 = tpu.memref_squeeze %dma_wait3A_95 : memref<1x128xi32, #tpu.memory_space<vmem>> -> memref<128xi32, #tpu.memory_space<vmem>>
        %dma_wait3A_97 = arith.constant 0 : i32
        %dma_wait3A_98 = arith.constant 0 : i32
        %dma_wait3A_99 = tpu.memref_slice %arg18[%dma_wait3A_97, %dma_wait3A_98] : memref<10112x16xf32, #tpu.memory_space<vmem_shared>> -> memref<10112x16xf32, #tpu.memory_space<vmem_shared>>
        tpu.wait_indirect_dma semaphore(%run_scoped3A_87 : memref<!tpu.dma_semaphore, #tpu.memory_space<semaphore_mem>>) src(%arg17 : memref<128x16xf32, #tpu.memory_space<vmem>>) dst(%dma_wait3A_99 : memref<10112x16xf32, #tpu.memory_space<vmem_shared>>)
        tpu.yield
      }) : () -> ()
      %add3A_80 = arith.constant 2 : i32
      %add3A_81 = arith.addi %add3A_67, %add3A_80 : i32
      %lt3A_82 = arith.constant 80 : i32
      %lt3A_83 = arith.cmpi slt, %add3A_81, %lt3A_82 : i32
      %convert_element_type3A_84 = arith.extui %lt3A_83 : i1 to i32
      %cond3A_85 = arith.constant 0 : i32
      %cond3A_86 = arith.cmpi ne, %convert_element_type3A_84, %cond3A_85 : i32
      scf.if %cond3A_86 {
        %add3A_87 = arith.constant 2 : i32
        %add3A_88 = arith.addi %add3A_67, %add3A_87 : i32
        %dma_start3A_89 = arith.constant 1 : i32
        %dma_start3A_90 = arith.constant 0 : i32
        %dma_start3A_91 = arith.constant 0 : i32
        %dma_start3A_92 = tpu.memref_slice %arg12[%dma_start3A_89, %dma_start3A_90, %dma_start3A_91] : memref<2x128x64xf32, #tpu.memory_space<vmem>> -> memref<1x128x64xf32, #tpu.memory_space<vmem>>
        %dma_start3A_93 = tpu.memref_squeeze %dma_start3A_92 : memref<1x128x64xf32, #tpu.memory_space<vmem>> -> memref<128x64xf32, #tpu.memory_space<vmem>>
        %dma_start3A_94 = arith.constant 0 : i32
        %dma_start3A_95 = tpu.memref_slice %arg10[%add3A_88, %dma_start3A_94] : memref<80x128xi32, #tpu.memory_space<vmem>> -> memref<1x128xi32, #tpu.memory_space<vmem>>
        %dma_start3A_96 = tpu.memref_squeeze %dma_start3A_95 : memref<1x128xi32, #tpu.memory_space<vmem>> -> memref<128xi32, #tpu.memory_space<vmem>>
        %dma_start3A_97 = arith.constant 0 : i32
        %dma_start3A_98 = arith.constant 0 : i32
        %dma_start3A_99 = tpu.memref_slice %arg13[%dma_start3A_97, %dma_start3A_98] : memref<10000x64xf32, #tpu.memory_space<vmem_shared>> -> memref<10000x64xf32, #tpu.memory_space<vmem_shared>>
        tpu.enqueue_indirect_dma source(%dma_start3A_99 : memref<10000x64xf32, #tpu.memory_space<vmem_shared>>) target(%dma_start3A_93 : memref<128x64xf32, #tpu.memory_space<vmem>>) offsets(%dma_start3A_96 : memref<128xi32, #tpu.memory_space<vmem>>) semaphore(%arg16 : memref<!tpu.dma_semaphore, #tpu.memory_space<semaphore_mem>>)
      } else {
      }
    }
    %scan3A_35 = arith.constant 40 : i32
    %barrier3A_36 = arith.constant 0 : index
    tpu.barrier barrier_id(%barrier3A_36)
    %mul3A_37 = arith.constant 632 : i32
    %mul3A_38 = arith.muli %arg1, %mul3A_37 : i32
    %mul3A_39 = arith.constant 632 : i32
    %mul3A_40 = arith.muli %arg1, %mul3A_39 : i32
    "tpu.region"() ({
      %run_scoped3A = tpu.sem_alloc : memref<!tpu.dma_semaphore, #tpu.memory_space<semaphore_mem>>
      %dma_start3A_45 = arith.constant 0 : i32
      %dma_start3A_46 = tpu.memref_slice %arg8[%arg0, %mul3A_40, %dma_start3A_45] : memref<2x10112x64xf32, #tpu.memory_space<hbm>> -> memref<1x632x64xf32, #tpu.memory_space<hbm>>
      %dma_start3A_47 = tpu.memref_squeeze %dma_start3A_46 : memref<1x632x64xf32, #tpu.memory_space<hbm>> -> memref<632x64xf32, #tpu.memory_space<hbm>>
      %dma_start3A_48 = arith.constant 0 : i32
      %dma_start3A_49 = tpu.memref_slice %arg14[%mul3A_38, %dma_start3A_48] : memref<10112x64xf32, #tpu.memory_space<vmem_shared>> -> memref<632x64xf32, #tpu.memory_space<vmem_shared>>
      tpu.enqueue_dma source(%dma_start3A_49 : memref<632x64xf32, #tpu.memory_space<vmem_shared>>) target(%dma_start3A_47 : memref<632x64xf32, #tpu.memory_space<hbm>>) target_semaphore(%run_scoped3A : memref<!tpu.dma_semaphore, #tpu.memory_space<semaphore_mem>>)
      %dma_wait3A = arith.constant 0 : i32
      %dma_wait3A_50 = tpu.memref_slice %arg8[%arg0, %mul3A_40, %dma_wait3A] : memref<2x10112x64xf32, #tpu.memory_space<hbm>> -> memref<1x632x64xf32, #tpu.memory_space<hbm>>
      %dma_wait3A_51 = tpu.memref_squeeze %dma_wait3A_50 : memref<1x632x64xf32, #tpu.memory_space<hbm>> -> memref<632x64xf32, #tpu.memory_space<hbm>>
      %dma_wait3A_52 = arith.constant 0 : i32
      %dma_wait3A_53 = tpu.memref_slice %arg14[%mul3A_38, %dma_wait3A_52] : memref<10112x64xf32, #tpu.memory_space<vmem_shared>> -> memref<632x64xf32, #tpu.memory_space<vmem_shared>>
      tpu.wait_dma2 semaphore(%run_scoped3A : memref<!tpu.dma_semaphore, #tpu.memory_space<semaphore_mem>>) src(%dma_wait3A_53 : memref<632x64xf32, #tpu.memory_space<vmem_shared>>) dst(%dma_wait3A_51 : memref<632x64xf32, #tpu.memory_space<hbm>>)
      tpu.yield
    }) : () -> ()
    %mul3A_41 = arith.constant 632 : i32
    %mul3A_42 = arith.muli %arg1, %mul3A_41 : i32
    %mul3A_43 = arith.constant 632 : i32
    %mul3A_44 = arith.muli %arg1, %mul3A_43 : i32
    "tpu.region"() ({
      %run_scoped3A = tpu.sem_alloc : memref<!tpu.dma_semaphore, #tpu.memory_space<semaphore_mem>>
      %dma_start3A_45 = arith.constant 0 : i32
      %dma_start3A_46 = tpu.memref_slice %arg9[%arg0, %mul3A_44, %dma_start3A_45] : memref<2x10112x16xf32, #tpu.memory_space<hbm>> -> memref<1x632x16xf32, #tpu.memory_space<hbm>>
      %dma_start3A_47 = tpu.memref_squeeze %dma_start3A_46 : memref<1x632x16xf32, #tpu.memory_space<hbm>> -> memref<632x16xf32, #tpu.memory_space<hbm>>
      %dma_start3A_48 = arith.constant 0 : i32
      %dma_start3A_49 = tpu.memref_slice %arg18[%mul3A_42, %dma_start3A_48] : memref<10112x16xf32, #tpu.memory_space<vmem_shared>> -> memref<632x16xf32, #tpu.memory_space<vmem_shared>>
      tpu.enqueue_dma source(%dma_start3A_49 : memref<632x16xf32, #tpu.memory_space<vmem_shared>>) target(%dma_start3A_47 : memref<632x16xf32, #tpu.memory_space<hbm>>) target_semaphore(%run_scoped3A : memref<!tpu.dma_semaphore, #tpu.memory_space<semaphore_mem>>)
      %dma_wait3A = arith.constant 0 : i32
      %dma_wait3A_50 = tpu.memref_slice %arg9[%arg0, %mul3A_44, %dma_wait3A] : memref<2x10112x16xf32, #tpu.memory_space<hbm>> -> memref<1x632x16xf32, #tpu.memory_space<hbm>>
      %dma_wait3A_51 = tpu.memref_squeeze %dma_wait3A_50 : memref<1x632x16xf32, #tpu.memory_space<hbm>> -> memref<632x16xf32, #tpu.memory_space<hbm>>
      %dma_wait3A_52 = arith.constant 0 : i32
      %dma_wait3A_53 = tpu.memref_slice %arg18[%mul3A_42, %dma_wait3A_52] : memref<10112x16xf32, #tpu.memory_space<vmem_shared>> -> memref<632x16xf32, #tpu.memory_space<vmem_shared>>
      tpu.wait_dma2 semaphore(%run_scoped3A : memref<!tpu.dma_semaphore, #tpu.memory_space<semaphore_mem>>) src(%dma_wait3A_53 : memref<632x16xf32, #tpu.memory_space<vmem_shared>>) dst(%dma_wait3A_51 : memref<632x16xf32, #tpu.memory_space<hbm>>)
      tpu.yield
    }) : () -> ()
    return
  }
}

#map = affine_map<(d0, d1) -> (0, 0)>
#map1 = affine_map<(d0, d1) -> (0, 0, 0)>
module attributes {stable_mosaic.version = 14 : i64} {
  func.func @k(%arg0: i32, %arg1: i32, %arg2: memref<10000x64xf32, #tpu.memory_space<hbm>>, %arg3: memref<32x80x128xi32, #tpu.memory_space<hbm>>, %arg4: memref<32x80x128xi32, #tpu.memory_space<hbm>>, %arg5: memref<632x64xf32, #tpu.memory_space<hbm>>, %arg6: memref<2x10112x64xf32, #tpu.memory_space<hbm>>, %arg7: memref<80x128xi32, #tpu.memory_space<vmem>>, %arg8: memref<80x128xi32, #tpu.memory_space<vmem>>, %arg9: memref<2x128x64xf32, #tpu.memory_space<vmem>>, %arg10: memref<10000x64xf32, #tpu.memory_space<vmem_shared>>, %arg11: memref<10112x64xf32, #tpu.memory_space<vmem_shared>>, %arg12: memref<!tpu.dma_semaphore, #tpu.memory_space<semaphore_mem>>, %arg13: memref<!tpu.dma_semaphore, #tpu.memory_space<semaphore_mem>>) attributes {dimension_semantics = [#tpu.dimension_semantics<core_parallel>, #tpu.dimension_semantics<subcore_parallel>], iteration_bounds = array<i64: 2, 16>, scalar_prefetch = 0 : i64, scratch_operands = 7 : i64, tpu.core_type = #tpu.core_type<sc_vector_subcore>, window_params = [{transform_indices = #map}, {transform_indices = #map1}, {transform_indices = #map1}, {transform_indices = #map}, {transform_indices = #map1}]} {
    %mul3A = arith.constant 16 : i32
    %mul3A_0 = arith.muli %arg0, %mul3A : i32
    %add3A = arith.addi %mul3A_0, %arg1 : i32
    %mul3A_1 = arith.constant 625 : i32
    %mul3A_2 = arith.muli %arg1, %mul3A_1 : i32
    %mul3A_3 = arith.constant 625 : i32
    %mul3A_4 = arith.muli %arg1, %mul3A_3 : i32
    "tpu.region"() ({
      %run_scoped3A = tpu.sem_alloc : memref<!tpu.dma_semaphore, #tpu.memory_space<semaphore_mem>>
      %dma_start3A_39 = arith.constant 0 : i32
      %dma_start3A_40 = tpu.memref_slice %arg10[%mul3A_4, %dma_start3A_39] : memref<10000x64xf32, #tpu.memory_space<vmem_shared>> -> memref<625x64xf32, #tpu.memory_space<vmem_shared>>
      %dma_start3A_41 = arith.constant 0 : i32
      %dma_start3A_42 = tpu.memref_slice %arg2[%mul3A_2, %dma_start3A_41] : memref<10000x64xf32, #tpu.memory_space<hbm>> -> memref<625x64xf32, #tpu.memory_space<hbm>>
      tpu.enqueue_dma source(%dma_start3A_42 : memref<625x64xf32, #tpu.memory_space<hbm>>) target(%dma_start3A_40 : memref<625x64xf32, #tpu.memory_space<vmem_shared>>) target_semaphore(%run_scoped3A : memref<!tpu.dma_semaphore, #tpu.memory_space<semaphore_mem>>)
      %dma_wait3A = arith.constant 0 : i32
      %dma_wait3A_43 = tpu.memref_slice %arg10[%mul3A_4, %dma_wait3A] : memref<10000x64xf32, #tpu.memory_space<vmem_shared>> -> memref<625x64xf32, #tpu.memory_space<vmem_shared>>
      %dma_wait3A_44 = arith.constant 0 : i32
      %dma_wait3A_45 = tpu.memref_slice %arg2[%mul3A_2, %dma_wait3A_44] : memref<10000x64xf32, #tpu.memory_space<hbm>> -> memref<625x64xf32, #tpu.memory_space<hbm>>
      tpu.wait_dma2 semaphore(%run_scoped3A : memref<!tpu.dma_semaphore, #tpu.memory_space<semaphore_mem>>) src(%dma_wait3A_45 : memref<625x64xf32, #tpu.memory_space<hbm>>) dst(%dma_wait3A_43 : memref<625x64xf32, #tpu.memory_space<vmem_shared>>)
      tpu.yield
    }) : () -> ()
    %mul3A_5 = arith.constant 632 : i32
    %mul3A_6 = arith.muli %arg1, %mul3A_5 : i32
    "tpu.region"() ({
      %run_scoped3A = tpu.sem_alloc : memref<!tpu.dma_semaphore, #tpu.memory_space<semaphore_mem>>
      %dma_start3A_39 = arith.constant 0 : i32
      %dma_start3A_40 = tpu.memref_slice %arg11[%mul3A_6, %dma_start3A_39] : memref<10112x64xf32, #tpu.memory_space<vmem_shared>> -> memref<632x64xf32, #tpu.memory_space<vmem_shared>>
      tpu.enqueue_dma source(%arg5 : memref<632x64xf32, #tpu.memory_space<hbm>>) target(%dma_start3A_40 : memref<632x64xf32, #tpu.memory_space<vmem_shared>>) target_semaphore(%run_scoped3A : memref<!tpu.dma_semaphore, #tpu.memory_space<semaphore_mem>>)
      %dma_wait3A = arith.constant 0 : i32
      %dma_wait3A_41 = tpu.memref_slice %arg11[%mul3A_6, %dma_wait3A] : memref<10112x64xf32, #tpu.memory_space<vmem_shared>> -> memref<632x64xf32, #tpu.memory_space<vmem_shared>>
      tpu.wait_dma2 semaphore(%run_scoped3A : memref<!tpu.dma_semaphore, #tpu.memory_space<semaphore_mem>>) src(%arg5 : memref<632x64xf32, #tpu.memory_space<hbm>>) dst(%dma_wait3A_41 : memref<632x64xf32, #tpu.memory_space<vmem_shared>>)
      tpu.yield
    }) : () -> ()
    "tpu.region"() ({
      %run_scoped3A = tpu.sem_alloc : memref<!tpu.dma_semaphore, #tpu.memory_space<semaphore_mem>>
      %dma_start3A_39 = arith.constant 0 : i32
      %dma_start3A_40 = arith.constant 0 : i32
      %dma_start3A_41 = tpu.memref_slice %arg3[%add3A, %dma_start3A_39, %dma_start3A_40] : memref<32x80x128xi32, #tpu.memory_space<hbm>> -> memref<1x80x128xi32, #tpu.memory_space<hbm>>
      %dma_start3A_42 = tpu.memref_squeeze %dma_start3A_41 : memref<1x80x128xi32, #tpu.memory_space<hbm>> -> memref<80x128xi32, #tpu.memory_space<hbm>>
      %dma_start3A_43 = arith.constant 0 : i32
      %dma_start3A_44 = arith.constant 0 : i32
      %dma_start3A_45 = tpu.memref_slice %arg3[%add3A, %dma_start3A_43, %dma_start3A_44] : memref<32x80x128xi32, #tpu.memory_space<hbm>> -> memref<1x80x128xi32, #tpu.memory_space<hbm>>
      %dma_start3A_46 = tpu.memref_squeeze %dma_start3A_45 : memref<1x80x128xi32, #tpu.memory_space<hbm>> -> memref<80x128xi32, #tpu.memory_space<hbm>>
      tpu.enqueue_dma source(%dma_start3A_46 : memref<80x128xi32, #tpu.memory_space<hbm>>) target(%arg7 : memref<80x128xi32, #tpu.memory_space<vmem>>) target_semaphore(%run_scoped3A : memref<!tpu.dma_semaphore, #tpu.memory_space<semaphore_mem>>)
      %dma_wait3A = arith.constant 0 : i32
      %dma_wait3A_47 = arith.constant 0 : i32
      %dma_wait3A_48 = tpu.memref_slice %arg3[%add3A, %dma_wait3A, %dma_wait3A_47] : memref<32x80x128xi32, #tpu.memory_space<hbm>> -> memref<1x80x128xi32, #tpu.memory_space<hbm>>
      %dma_wait3A_49 = tpu.memref_squeeze %dma_wait3A_48 : memref<1x80x128xi32, #tpu.memory_space<hbm>> -> memref<80x128xi32, #tpu.memory_space<hbm>>
      %dma_wait3A_50 = arith.constant 0 : i32
      %dma_wait3A_51 = arith.constant 0 : i32
      %dma_wait3A_52 = tpu.memref_slice %arg3[%add3A, %dma_wait3A_50, %dma_wait3A_51] : memref<32x80x128xi32, #tpu.memory_space<hbm>> -> memref<1x80x128xi32, #tpu.memory_space<hbm>>
      %dma_wait3A_53 = tpu.memref_squeeze %dma_wait3A_52 : memref<1x80x128xi32, #tpu.memory_space<hbm>> -> memref<80x128xi32, #tpu.memory_space<hbm>>
      tpu.wait_dma2 semaphore(%run_scoped3A : memref<!tpu.dma_semaphore, #tpu.memory_space<semaphore_mem>>) src(%dma_wait3A_53 : memref<80x128xi32, #tpu.memory_space<hbm>>) dst(%arg7 : memref<80x128xi32, #tpu.memory_space<vmem>>)
      tpu.yield
    }) : () -> ()
    "tpu.region"() ({
      %run_scoped3A = tpu.sem_alloc : memref<!tpu.dma_semaphore, #tpu.memory_space<semaphore_mem>>
      %dma_start3A_39 = arith.constant 0 : i32
      %dma_start3A_40 = arith.constant 0 : i32
      %dma_start3A_41 = tpu.memref_slice %arg4[%add3A, %dma_start3A_39, %dma_start3A_40] : memref<32x80x128xi32, #tpu.memory_space<hbm>> -> memref<1x80x128xi32, #tpu.memory_space<hbm>>
      %dma_start3A_42 = tpu.memref_squeeze %dma_start3A_41 : memref<1x80x128xi32, #tpu.memory_space<hbm>> -> memref<80x128xi32, #tpu.memory_space<hbm>>
      %dma_start3A_43 = arith.constant 0 : i32
      %dma_start3A_44 = arith.constant 0 : i32
      %dma_start3A_45 = tpu.memref_slice %arg4[%add3A, %dma_start3A_43, %dma_start3A_44] : memref<32x80x128xi32, #tpu.memory_space<hbm>> -> memref<1x80x128xi32, #tpu.memory_space<hbm>>
      %dma_start3A_46 = tpu.memref_squeeze %dma_start3A_45 : memref<1x80x128xi32, #tpu.memory_space<hbm>> -> memref<80x128xi32, #tpu.memory_space<hbm>>
      tpu.enqueue_dma source(%dma_start3A_46 : memref<80x128xi32, #tpu.memory_space<hbm>>) target(%arg8 : memref<80x128xi32, #tpu.memory_space<vmem>>) target_semaphore(%run_scoped3A : memref<!tpu.dma_semaphore, #tpu.memory_space<semaphore_mem>>)
      %dma_wait3A = arith.constant 0 : i32
      %dma_wait3A_47 = arith.constant 0 : i32
      %dma_wait3A_48 = tpu.memref_slice %arg4[%add3A, %dma_wait3A, %dma_wait3A_47] : memref<32x80x128xi32, #tpu.memory_space<hbm>> -> memref<1x80x128xi32, #tpu.memory_space<hbm>>
      %dma_wait3A_49 = tpu.memref_squeeze %dma_wait3A_48 : memref<1x80x128xi32, #tpu.memory_space<hbm>> -> memref<80x128xi32, #tpu.memory_space<hbm>>
      %dma_wait3A_50 = arith.constant 0 : i32
      %dma_wait3A_51 = arith.constant 0 : i32
      %dma_wait3A_52 = tpu.memref_slice %arg4[%add3A, %dma_wait3A_50, %dma_wait3A_51] : memref<32x80x128xi32, #tpu.memory_space<hbm>> -> memref<1x80x128xi32, #tpu.memory_space<hbm>>
      %dma_wait3A_53 = tpu.memref_squeeze %dma_wait3A_52 : memref<1x80x128xi32, #tpu.memory_space<hbm>> -> memref<80x128xi32, #tpu.memory_space<hbm>>
      tpu.wait_dma2 semaphore(%run_scoped3A : memref<!tpu.dma_semaphore, #tpu.memory_space<semaphore_mem>>) src(%dma_wait3A_53 : memref<80x128xi32, #tpu.memory_space<hbm>>) dst(%arg8 : memref<80x128xi32, #tpu.memory_space<vmem>>)
      tpu.yield
    }) : () -> ()
    %barrier3A = arith.constant 0 : index
    tpu.barrier barrier_id(%barrier3A)
    %dma_start3A = arith.constant 0 : i32
    %dma_start3A_7 = arith.constant 0 : i32
    %dma_start3A_8 = arith.constant 0 : i32
    %dma_start3A_9 = arith.constant 0 : i32
    %dma_start3A_10 = tpu.memref_slice %arg9[%dma_start3A_7, %dma_start3A_8, %dma_start3A_9] : memref<2x128x64xf32, #tpu.memory_space<vmem>> -> memref<1x128x64xf32, #tpu.memory_space<vmem>>
    %dma_start3A_11 = tpu.memref_squeeze %dma_start3A_10 : memref<1x128x64xf32, #tpu.memory_space<vmem>> -> memref<128x64xf32, #tpu.memory_space<vmem>>
    %dma_start3A_12 = arith.constant 0 : i32
    %dma_start3A_13 = tpu.memref_slice %arg7[%dma_start3A, %dma_start3A_12] : memref<80x128xi32, #tpu.memory_space<vmem>> -> memref<1x128xi32, #tpu.memory_space<vmem>>
    %dma_start3A_14 = tpu.memref_squeeze %dma_start3A_13 : memref<1x128xi32, #tpu.memory_space<vmem>> -> memref<128xi32, #tpu.memory_space<vmem>>
    %dma_start3A_15 = arith.constant 0 : i32
    %dma_start3A_16 = arith.constant 0 : i32
    %dma_start3A_17 = tpu.memref_slice %arg10[%dma_start3A_15, %dma_start3A_16] : memref<10000x64xf32, #tpu.memory_space<vmem_shared>> -> memref<10000x64xf32, #tpu.memory_space<vmem_shared>>
    tpu.enqueue_indirect_dma source(%dma_start3A_17 : memref<10000x64xf32, #tpu.memory_space<vmem_shared>>) target(%dma_start3A_11 : memref<128x64xf32, #tpu.memory_space<vmem>>) offsets(%dma_start3A_14 : memref<128xi32, #tpu.memory_space<vmem>>) semaphore(%arg12 : memref<!tpu.dma_semaphore, #tpu.memory_space<semaphore_mem>>)
    %dma_start3A_18 = arith.constant 1 : i32
    %dma_start3A_19 = arith.constant 1 : i32
    %dma_start3A_20 = arith.constant 0 : i32
    %dma_start3A_21 = arith.constant 0 : i32
    %dma_start3A_22 = tpu.memref_slice %arg9[%dma_start3A_19, %dma_start3A_20, %dma_start3A_21] : memref<2x128x64xf32, #tpu.memory_space<vmem>> -> memref<1x128x64xf32, #tpu.memory_space<vmem>>
    %dma_start3A_23 = tpu.memref_squeeze %dma_start3A_22 : memref<1x128x64xf32, #tpu.memory_space<vmem>> -> memref<128x64xf32, #tpu.memory_space<vmem>>
    %dma_start3A_24 = arith.constant 0 : i32
    %dma_start3A_25 = tpu.memref_slice %arg7[%dma_start3A_18, %dma_start3A_24] : memref<80x128xi32, #tpu.memory_space<vmem>> -> memref<1x128xi32, #tpu.memory_space<vmem>>
    %dma_start3A_26 = tpu.memref_squeeze %dma_start3A_25 : memref<1x128xi32, #tpu.memory_space<vmem>> -> memref<128xi32, #tpu.memory_space<vmem>>
    %dma_start3A_27 = arith.constant 0 : i32
    %dma_start3A_28 = arith.constant 0 : i32
    %dma_start3A_29 = tpu.memref_slice %arg10[%dma_start3A_27, %dma_start3A_28] : memref<10000x64xf32, #tpu.memory_space<vmem_shared>> -> memref<10000x64xf32, #tpu.memory_space<vmem_shared>>
    tpu.enqueue_indirect_dma source(%dma_start3A_29 : memref<10000x64xf32, #tpu.memory_space<vmem_shared>>) target(%dma_start3A_23 : memref<128x64xf32, #tpu.memory_space<vmem>>) offsets(%dma_start3A_26 : memref<128xi32, #tpu.memory_space<vmem>>) semaphore(%arg13 : memref<!tpu.dma_semaphore, #tpu.memory_space<semaphore_mem>>)
    %scan3A = arith.constant 0 : i32
    %scan3A_30 = arith.constant 40 : i32
    %scan3A_31 = arith.addi %scan3A, %scan3A_30 : i32
    %scan3A_32 = arith.constant 1 : i32
    scf.for %scan3A_39 = %scan3A to %scan3A_31 step %scan3A_32  : i32 {
      %mul3A_40 = arith.constant 2 : i32
      %mul3A_41 = arith.muli %scan3A_39, %mul3A_40 : i32
      %add3A_42 = arith.constant 0 : i32
      %add3A_43 = arith.addi %add3A_42, %mul3A_41 : i32
      %add3A_44 = arith.constant 0 : i32
      %add3A_45 = arith.addi %add3A_43, %add3A_44 : i32
      %dma_wait3A = arith.constant 0 : i32
      %dma_wait3A_46 = arith.constant 0 : i32
      %dma_wait3A_47 = arith.constant 0 : i32
      %dma_wait3A_48 = tpu.memref_slice %arg9[%dma_wait3A, %dma_wait3A_46, %dma_wait3A_47] : memref<2x128x64xf32, #tpu.memory_space<vmem>> -> memref<1x128x64xf32, #tpu.memory_space<vmem>>
      %dma_wait3A_49 = tpu.memref_squeeze %dma_wait3A_48 : memref<1x128x64xf32, #tpu.memory_space<vmem>> -> memref<128x64xf32, #tpu.memory_space<vmem>>
      %dma_wait3A_50 = arith.constant 0 : i32
      %dma_wait3A_51 = tpu.memref_slice %arg7[%add3A_45, %dma_wait3A_50] : memref<80x128xi32, #tpu.memory_space<vmem>> -> memref<1x128xi32, #tpu.memory_space<vmem>>
      %dma_wait3A_52 = tpu.memref_squeeze %dma_wait3A_51 : memref<1x128xi32, #tpu.memory_space<vmem>> -> memref<128xi32, #tpu.memory_space<vmem>>
      %dma_wait3A_53 = arith.constant 0 : i32
      %dma_wait3A_54 = arith.constant 0 : i32
      %dma_wait3A_55 = tpu.memref_slice %arg10[%dma_wait3A_53, %dma_wait3A_54] : memref<10000x64xf32, #tpu.memory_space<vmem_shared>> -> memref<10000x64xf32, #tpu.memory_space<vmem_shared>>
      tpu.wait_indirect_dma semaphore(%arg12 : memref<!tpu.dma_semaphore, #tpu.memory_space<semaphore_mem>>) src(%dma_wait3A_55 : memref<10000x64xf32, #tpu.memory_space<vmem_shared>>) dst(%dma_wait3A_49 : memref<128x64xf32, #tpu.memory_space<vmem>>)
      %run_scoped3A = arith.constant 0 : i32
      "tpu.region"() ({
        %run_scoped3A_81 = tpu.sem_alloc : memref<!tpu.dma_semaphore, #tpu.memory_space<semaphore_mem>>
        %dma_start3A_82 = arith.constant 0 : i32
        %dma_start3A_83 = arith.constant 0 : i32
        %dma_start3A_84 = tpu.memref_slice %arg9[%run_scoped3A, %dma_start3A_82, %dma_start3A_83] : memref<2x128x64xf32, #tpu.memory_space<vmem>> -> memref<1x128x64xf32, #tpu.memory_space<vmem>>
        %dma_start3A_85 = tpu.memref_squeeze %dma_start3A_84 : memref<1x128x64xf32, #tpu.memory_space<vmem>> -> memref<128x64xf32, #tpu.memory_space<vmem>>
        %dma_start3A_86 = arith.constant 0 : i32
        %dma_start3A_87 = tpu.memref_slice %arg8[%add3A_45, %dma_start3A_86] : memref<80x128xi32, #tpu.memory_space<vmem>> -> memref<1x128xi32, #tpu.memory_space<vmem>>
        %dma_start3A_88 = tpu.memref_squeeze %dma_start3A_87 : memref<1x128xi32, #tpu.memory_space<vmem>> -> memref<128xi32, #tpu.memory_space<vmem>>
        %dma_start3A_89 = arith.constant 0 : i32
        %dma_start3A_90 = arith.constant 0 : i32
        %dma_start3A_91 = tpu.memref_slice %arg11[%dma_start3A_89, %dma_start3A_90] : memref<10112x64xf32, #tpu.memory_space<vmem_shared>> -> memref<10112x64xf32, #tpu.memory_space<vmem_shared>>
        tpu.enqueue_indirect_dma source(%dma_start3A_85 : memref<128x64xf32, #tpu.memory_space<vmem>>) target(%dma_start3A_91 : memref<10112x64xf32, #tpu.memory_space<vmem_shared>>) offsets(%dma_start3A_88 : memref<128xi32, #tpu.memory_space<vmem>>) semaphore(%run_scoped3A_81 : memref<!tpu.dma_semaphore, #tpu.memory_space<semaphore_mem>>) {add = true}
        %dma_wait3A_92 = arith.constant 0 : i32
        %dma_wait3A_93 = arith.constant 0 : i32
        %dma_wait3A_94 = tpu.memref_slice %arg9[%run_scoped3A, %dma_wait3A_92, %dma_wait3A_93] : memref<2x128x64xf32, #tpu.memory_space<vmem>> -> memref<1x128x64xf32, #tpu.memory_space<vmem>>
        %dma_wait3A_95 = tpu.memref_squeeze %dma_wait3A_94 : memref<1x128x64xf32, #tpu.memory_space<vmem>> -> memref<128x64xf32, #tpu.memory_space<vmem>>
        %dma_wait3A_96 = arith.constant 0 : i32
        %dma_wait3A_97 = tpu.memref_slice %arg8[%add3A_45, %dma_wait3A_96] : memref<80x128xi32, #tpu.memory_space<vmem>> -> memref<1x128xi32, #tpu.memory_space<vmem>>
        %dma_wait3A_98 = tpu.memref_squeeze %dma_wait3A_97 : memref<1x128xi32, #tpu.memory_space<vmem>> -> memref<128xi32, #tpu.memory_space<vmem>>
        %dma_wait3A_99 = arith.constant 0 : i32
        %dma_wait3A_100 = arith.constant 0 : i32
        %dma_wait3A_101 = tpu.memref_slice %arg11[%dma_wait3A_99, %dma_wait3A_100] : memref<10112x64xf32, #tpu.memory_space<vmem_shared>> -> memref<10112x64xf32, #tpu.memory_space<vmem_shared>>
        tpu.wait_indirect_dma semaphore(%run_scoped3A_81 : memref<!tpu.dma_semaphore, #tpu.memory_space<semaphore_mem>>) src(%dma_wait3A_95 : memref<128x64xf32, #tpu.memory_space<vmem>>) dst(%dma_wait3A_101 : memref<10112x64xf32, #tpu.memory_space<vmem_shared>>)
        tpu.yield
      }) : () -> ()
      %add3A_56 = arith.constant 2 : i32
      %add3A_57 = arith.addi %add3A_45, %add3A_56 : i32
      %lt3A = arith.constant 80 : i32
      %lt3A_58 = arith.cmpi slt, %add3A_57, %lt3A : i32
      %convert_element_type3A = arith.extui %lt3A_58 : i1 to i32
      %cond3A = arith.constant 0 : i32
      %cond3A_59 = arith.cmpi ne, %convert_element_type3A, %cond3A : i32
      scf.if %cond3A_59 {
        %add3A_81 = arith.constant 2 : i32
        %add3A_82 = arith.addi %add3A_45, %add3A_81 : i32
        %dma_start3A_83 = arith.constant 0 : i32
        %dma_start3A_84 = arith.constant 0 : i32
        %dma_start3A_85 = arith.constant 0 : i32
        %dma_start3A_86 = tpu.memref_slice %arg9[%dma_start3A_83, %dma_start3A_84, %dma_start3A_85] : memref<2x128x64xf32, #tpu.memory_space<vmem>> -> memref<1x128x64xf32, #tpu.memory_space<vmem>>
        %dma_start3A_87 = tpu.memref_squeeze %dma_start3A_86 : memref<1x128x64xf32, #tpu.memory_space<vmem>> -> memref<128x64xf32, #tpu.memory_space<vmem>>
        %dma_start3A_88 = arith.constant 0 : i32
        %dma_start3A_89 = tpu.memref_slice %arg7[%add3A_82, %dma_start3A_88] : memref<80x128xi32, #tpu.memory_space<vmem>> -> memref<1x128xi32, #tpu.memory_space<vmem>>
        %dma_start3A_90 = tpu.memref_squeeze %dma_start3A_89 : memref<1x128xi32, #tpu.memory_space<vmem>> -> memref<128xi32, #tpu.memory_space<vmem>>
        %dma_start3A_91 = arith.constant 0 : i32
        %dma_start3A_92 = arith.constant 0 : i32
        %dma_start3A_93 = tpu.memref_slice %arg10[%dma_start3A_91, %dma_start3A_92] : memref<10000x64xf32, #tpu.memory_space<vmem_shared>> -> memref<10000x64xf32, #tpu.memory_space<vmem_shared>>
        tpu.enqueue_indirect_dma source(%dma_start3A_93 : memref<10000x64xf32, #tpu.memory_space<vmem_shared>>) target(%dma_start3A_87 : memref<128x64xf32, #tpu.memory_space<vmem>>) offsets(%dma_start3A_90 : memref<128xi32, #tpu.memory_space<vmem>>) semaphore(%arg12 : memref<!tpu.dma_semaphore, #tpu.memory_space<semaphore_mem>>)
      } else {
      }
      %add3A_60 = arith.constant 1 : i32
      %add3A_61 = arith.addi %add3A_43, %add3A_60 : i32
      %dma_wait3A_62 = arith.constant 1 : i32
      %dma_wait3A_63 = arith.constant 0 : i32
      %dma_wait3A_64 = arith.constant 0 : i32
      %dma_wait3A_65 = tpu.memref_slice %arg9[%dma_wait3A_62, %dma_wait3A_63, %dma_wait3A_64] : memref<2x128x64xf32, #tpu.memory_space<vmem>> -> memref<1x128x64xf32, #tpu.memory_space<vmem>>
      %dma_wait3A_66 = tpu.memref_squeeze %dma_wait3A_65 : memref<1x128x64xf32, #tpu.memory_space<vmem>> -> memref<128x64xf32, #tpu.memory_space<vmem>>
      %dma_wait3A_67 = arith.constant 0 : i32
      %dma_wait3A_68 = tpu.memref_slice %arg7[%add3A_61, %dma_wait3A_67] : memref<80x128xi32, #tpu.memory_space<vmem>> -> memref<1x128xi32, #tpu.memory_space<vmem>>
      %dma_wait3A_69 = tpu.memref_squeeze %dma_wait3A_68 : memref<1x128xi32, #tpu.memory_space<vmem>> -> memref<128xi32, #tpu.memory_space<vmem>>
      %dma_wait3A_70 = arith.constant 0 : i32
      %dma_wait3A_71 = arith.constant 0 : i32
      %dma_wait3A_72 = tpu.memref_slice %arg10[%dma_wait3A_70, %dma_wait3A_71] : memref<10000x64xf32, #tpu.memory_space<vmem_shared>> -> memref<10000x64xf32, #tpu.memory_space<vmem_shared>>
      tpu.wait_indirect_dma semaphore(%arg13 : memref<!tpu.dma_semaphore, #tpu.memory_space<semaphore_mem>>) src(%dma_wait3A_72 : memref<10000x64xf32, #tpu.memory_space<vmem_shared>>) dst(%dma_wait3A_66 : memref<128x64xf32, #tpu.memory_space<vmem>>)
      %run_scoped3A_73 = arith.constant 1 : i32
      "tpu.region"() ({
        %run_scoped3A_81 = tpu.sem_alloc : memref<!tpu.dma_semaphore, #tpu.memory_space<semaphore_mem>>
        %dma_start3A_82 = arith.constant 0 : i32
        %dma_start3A_83 = arith.constant 0 : i32
        %dma_start3A_84 = tpu.memref_slice %arg9[%run_scoped3A_73, %dma_start3A_82, %dma_start3A_83] : memref<2x128x64xf32, #tpu.memory_space<vmem>> -> memref<1x128x64xf32, #tpu.memory_space<vmem>>
        %dma_start3A_85 = tpu.memref_squeeze %dma_start3A_84 : memref<1x128x64xf32, #tpu.memory_space<vmem>> -> memref<128x64xf32, #tpu.memory_space<vmem>>
        %dma_start3A_86 = arith.constant 0 : i32
        %dma_start3A_87 = tpu.memref_slice %arg8[%add3A_61, %dma_start3A_86] : memref<80x128xi32, #tpu.memory_space<vmem>> -> memref<1x128xi32, #tpu.memory_space<vmem>>
        %dma_start3A_88 = tpu.memref_squeeze %dma_start3A_87 : memref<1x128xi32, #tpu.memory_space<vmem>> -> memref<128xi32, #tpu.memory_space<vmem>>
        %dma_start3A_89 = arith.constant 0 : i32
        %dma_start3A_90 = arith.constant 0 : i32
        %dma_start3A_91 = tpu.memref_slice %arg11[%dma_start3A_89, %dma_start3A_90] : memref<10112x64xf32, #tpu.memory_space<vmem_shared>> -> memref<10112x64xf32, #tpu.memory_space<vmem_shared>>
        tpu.enqueue_indirect_dma source(%dma_start3A_85 : memref<128x64xf32, #tpu.memory_space<vmem>>) target(%dma_start3A_91 : memref<10112x64xf32, #tpu.memory_space<vmem_shared>>) offsets(%dma_start3A_88 : memref<128xi32, #tpu.memory_space<vmem>>) semaphore(%run_scoped3A_81 : memref<!tpu.dma_semaphore, #tpu.memory_space<semaphore_mem>>) {add = true}
        %dma_wait3A_92 = arith.constant 0 : i32
        %dma_wait3A_93 = arith.constant 0 : i32
        %dma_wait3A_94 = tpu.memref_slice %arg9[%run_scoped3A_73, %dma_wait3A_92, %dma_wait3A_93] : memref<2x128x64xf32, #tpu.memory_space<vmem>> -> memref<1x128x64xf32, #tpu.memory_space<vmem>>
        %dma_wait3A_95 = tpu.memref_squeeze %dma_wait3A_94 : memref<1x128x64xf32, #tpu.memory_space<vmem>> -> memref<128x64xf32, #tpu.memory_space<vmem>>
        %dma_wait3A_96 = arith.constant 0 : i32
        %dma_wait3A_97 = tpu.memref_slice %arg8[%add3A_61, %dma_wait3A_96] : memref<80x128xi32, #tpu.memory_space<vmem>> -> memref<1x128xi32, #tpu.memory_space<vmem>>
        %dma_wait3A_98 = tpu.memref_squeeze %dma_wait3A_97 : memref<1x128xi32, #tpu.memory_space<vmem>> -> memref<128xi32, #tpu.memory_space<vmem>>
        %dma_wait3A_99 = arith.constant 0 : i32
        %dma_wait3A_100 = arith.constant 0 : i32
        %dma_wait3A_101 = tpu.memref_slice %arg11[%dma_wait3A_99, %dma_wait3A_100] : memref<10112x64xf32, #tpu.memory_space<vmem_shared>> -> memref<10112x64xf32, #tpu.memory_space<vmem_shared>>
        tpu.wait_indirect_dma semaphore(%run_scoped3A_81 : memref<!tpu.dma_semaphore, #tpu.memory_space<semaphore_mem>>) src(%dma_wait3A_95 : memref<128x64xf32, #tpu.memory_space<vmem>>) dst(%dma_wait3A_101 : memref<10112x64xf32, #tpu.memory_space<vmem_shared>>)
        tpu.yield
      }) : () -> ()
      %add3A_74 = arith.constant 2 : i32
      %add3A_75 = arith.addi %add3A_61, %add3A_74 : i32
      %lt3A_76 = arith.constant 80 : i32
      %lt3A_77 = arith.cmpi slt, %add3A_75, %lt3A_76 : i32
      %convert_element_type3A_78 = arith.extui %lt3A_77 : i1 to i32
      %cond3A_79 = arith.constant 0 : i32
      %cond3A_80 = arith.cmpi ne, %convert_element_type3A_78, %cond3A_79 : i32
      scf.if %cond3A_80 {
        %add3A_81 = arith.constant 2 : i32
        %add3A_82 = arith.addi %add3A_61, %add3A_81 : i32
        %dma_start3A_83 = arith.constant 1 : i32
        %dma_start3A_84 = arith.constant 0 : i32
        %dma_start3A_85 = arith.constant 0 : i32
        %dma_start3A_86 = tpu.memref_slice %arg9[%dma_start3A_83, %dma_start3A_84, %dma_start3A_85] : memref<2x128x64xf32, #tpu.memory_space<vmem>> -> memref<1x128x64xf32, #tpu.memory_space<vmem>>
        %dma_start3A_87 = tpu.memref_squeeze %dma_start3A_86 : memref<1x128x64xf32, #tpu.memory_space<vmem>> -> memref<128x64xf32, #tpu.memory_space<vmem>>
        %dma_start3A_88 = arith.constant 0 : i32
        %dma_start3A_89 = tpu.memref_slice %arg7[%add3A_82, %dma_start3A_88] : memref<80x128xi32, #tpu.memory_space<vmem>> -> memref<1x128xi32, #tpu.memory_space<vmem>>
        %dma_start3A_90 = tpu.memref_squeeze %dma_start3A_89 : memref<1x128xi32, #tpu.memory_space<vmem>> -> memref<128xi32, #tpu.memory_space<vmem>>
        %dma_start3A_91 = arith.constant 0 : i32
        %dma_start3A_92 = arith.constant 0 : i32
        %dma_start3A_93 = tpu.memref_slice %arg10[%dma_start3A_91, %dma_start3A_92] : memref<10000x64xf32, #tpu.memory_space<vmem_shared>> -> memref<10000x64xf32, #tpu.memory_space<vmem_shared>>
        tpu.enqueue_indirect_dma source(%dma_start3A_93 : memref<10000x64xf32, #tpu.memory_space<vmem_shared>>) target(%dma_start3A_87 : memref<128x64xf32, #tpu.memory_space<vmem>>) offsets(%dma_start3A_90 : memref<128xi32, #tpu.memory_space<vmem>>) semaphore(%arg13 : memref<!tpu.dma_semaphore, #tpu.memory_space<semaphore_mem>>)
      } else {
      }
    }
    %scan3A_33 = arith.constant 40 : i32
    %barrier3A_34 = arith.constant 0 : index
    tpu.barrier barrier_id(%barrier3A_34)
    %mul3A_35 = arith.constant 632 : i32
    %mul3A_36 = arith.muli %arg1, %mul3A_35 : i32
    %mul3A_37 = arith.constant 632 : i32
    %mul3A_38 = arith.muli %arg1, %mul3A_37 : i32
    "tpu.region"() ({
      %run_scoped3A = tpu.sem_alloc : memref<!tpu.dma_semaphore, #tpu.memory_space<semaphore_mem>>
      %dma_start3A_39 = arith.constant 0 : i32
      %dma_start3A_40 = tpu.memref_slice %arg6[%arg0, %mul3A_38, %dma_start3A_39] : memref<2x10112x64xf32, #tpu.memory_space<hbm>> -> memref<1x632x64xf32, #tpu.memory_space<hbm>>
      %dma_start3A_41 = tpu.memref_squeeze %dma_start3A_40 : memref<1x632x64xf32, #tpu.memory_space<hbm>> -> memref<632x64xf32, #tpu.memory_space<hbm>>
      %dma_start3A_42 = arith.constant 0 : i32
      %dma_start3A_43 = tpu.memref_slice %arg11[%mul3A_36, %dma_start3A_42] : memref<10112x64xf32, #tpu.memory_space<vmem_shared>> -> memref<632x64xf32, #tpu.memory_space<vmem_shared>>
      tpu.enqueue_dma source(%dma_start3A_43 : memref<632x64xf32, #tpu.memory_space<vmem_shared>>) target(%dma_start3A_41 : memref<632x64xf32, #tpu.memory_space<hbm>>) target_semaphore(%run_scoped3A : memref<!tpu.dma_semaphore, #tpu.memory_space<semaphore_mem>>)
      %dma_wait3A = arith.constant 0 : i32
      %dma_wait3A_44 = tpu.memref_slice %arg6[%arg0, %mul3A_38, %dma_wait3A] : memref<2x10112x64xf32, #tpu.memory_space<hbm>> -> memref<1x632x64xf32, #tpu.memory_space<hbm>>
      %dma_wait3A_45 = tpu.memref_squeeze %dma_wait3A_44 : memref<1x632x64xf32, #tpu.memory_space<hbm>> -> memref<632x64xf32, #tpu.memory_space<hbm>>
      %dma_wait3A_46 = arith.constant 0 : i32
      %dma_wait3A_47 = tpu.memref_slice %arg11[%mul3A_36, %dma_wait3A_46] : memref<10112x64xf32, #tpu.memory_space<vmem_shared>> -> memref<632x64xf32, #tpu.memory_space<vmem_shared>>
      tpu.wait_dma2 semaphore(%run_scoped3A : memref<!tpu.dma_semaphore, #tpu.memory_space<semaphore_mem>>) src(%dma_wait3A_47 : memref<632x64xf32, #tpu.memory_space<vmem_shared>>) dst(%dma_wait3A_45 : memref<632x64xf32, #tpu.memory_space<hbm>>)
      tpu.yield
    }) : () -> ()
    return
  }
}

module attributes {stable_mosaic.version = 14 : i64} {
  func.func @_proj_body(%arg0: i32, %arg1: memref<2000x128xf32, #tpu.memory_space<vmem>>, %arg2: memref<128x64xf32, #tpu.memory_space<vmem>>, %arg3: memref<128x64xf32, #tpu.memory_space<vmem>>, %arg4: memref<1x64xf32, #tpu.memory_space<vmem>>, %arg5: memref<2000x64xf32, #tpu.memory_space<vmem>>, %arg6: memref<2000x64xf32, #tpu.memory_space<vmem>>) attributes {dimension_semantics = [#tpu.dimension_semantics<arbitrary>], iteration_bounds = array<i64: 5>, scalar_prefetch = 0 : i64, scratch_operands = 0 : i64, tpu.core_type = #tpu.core_type<tc>, window_params = [{transform_indices = @transform_0, window_bounds = array<i64: 2000, 128>}, {pipeline_mode = #tpu.pipeline_mode<synchronous>, transform_indices = @transform_1, window_bounds = array<i64: 128, 64>}, {pipeline_mode = #tpu.pipeline_mode<synchronous>, transform_indices = @transform_2, window_bounds = array<i64: 128, 64>}, {pipeline_mode = #tpu.pipeline_mode<synchronous>, transform_indices = @transform_3, window_bounds = array<i64: 1, 64>}, {transform_indices = @transform_4, window_bounds = array<i64: 2000, 64>}, {transform_indices = @transform_5, window_bounds = array<i64: 2000, 64>}]} {
    %get3A = arith.constant 0 : index
    %get3A_0 = arith.constant 0 : index
    %get3A_1 = vector.load %arg1[%get3A, %get3A_0] : memref<2000x128xf32, #tpu.memory_space<vmem>>, vector<2000x128xf32>
    %get3A_2 = arith.constant 0 : index
    %get3A_3 = arith.constant 0 : index
    %get3A_4 = vector.load %arg2[%get3A_2, %get3A_3] : memref<128x64xf32, #tpu.memory_space<vmem>>, vector<128x64xf32>
    %dot_general3A = arith.constant dense<0.000000e+00> : vector<2000x64xf32>
    %dot_general3A_5 = tpu.matmul %get3A_1, %get3A_4, %dot_general3A {dimension_numbers = #tpu.dot_dimension_numbers<[1], [0], [0], [1], [0, 0, 1, 1], [], []>, transpose_lhs_hint = false} : vector<2000x128xf32>, vector<128x64xf32>, vector<2000x64xf32> -> vector<2000x64xf32>
    %swap3A = arith.constant 0 : index
    %swap3A_6 = arith.constant 0 : index
    %swap3A_7 = vector.load %arg5[%swap3A, %swap3A_6] : memref<2000x64xf32, #tpu.memory_space<vmem>>, vector<2000x64xf32>
    tpu.vector_store %arg5[%swap3A, %swap3A_6], %dot_general3A_5 {strides = array<i32>} : memref<2000x64xf32, #tpu.memory_space<vmem>>, vector<2000x64xf32>,
    %get3A_8 = arith.constant 0 : index
    %get3A_9 = arith.constant 0 : index
    %get3A_10 = vector.load %arg3[%get3A_8, %get3A_9] : memref<128x64xf32, #tpu.memory_space<vmem>>, vector<128x64xf32>
    %dot_general3A_11 = arith.constant dense<0.000000e+00> : vector<2000x64xf32>
    %dot_general3A_12 = tpu.matmul %get3A_1, %get3A_10, %dot_general3A_11 {dimension_numbers = #tpu.dot_dimension_numbers<[1], [0], [0], [1], [0, 0, 1, 1], [], []>, transpose_lhs_hint = false} : vector<2000x128xf32>, vector<128x64xf32>, vector<2000x64xf32> -> vector<2000x64xf32>
    %get3A_13 = arith.constant 0 : index
    %get3A_14 = arith.constant 0 : index
    %get3A_15 = vector.load %arg4[%get3A_13, %get3A_14] : memref<1x64xf32, #tpu.memory_space<vmem>>, vector<1x64xf32>
    %add3A = vector.broadcast %get3A_15 : vector<1x64xf32> to vector<2000x64xf32>
    %add3A_16 = arith.addf %dot_general3A_12, %add3A : vector<2000x64xf32>
    %swap3A_17 = arith.constant 0 : index
    %swap3A_18 = arith.constant 0 : index
    %swap3A_19 = vector.load %arg6[%swap3A_17, %swap3A_18] : memref<2000x64xf32, #tpu.memory_space<vmem>>, vector<2000x64xf32>
    tpu.vector_store %arg6[%swap3A_17, %swap3A_18], %add3A_16 {strides = array<i32>} : memref<2000x64xf32, #tpu.memory_space<vmem>>, vector<2000x64xf32>,
    return
  }
  func.func @transform_0(%arg0: i32) -> (i32, i32) {
    %c0_i32 = arith.constant 0 : i32
    %c0_i32_0 = arith.constant 0 : i32
    return %arg0, %c0_i32 : i32, i32
  }
  func.func @transform_1(%arg0: i32) -> (i32, i32) {
    %c0_i32 = arith.constant 0 : i32
    %c0_i32_0 = arith.constant 0 : i32
    %c0_i32_1 = arith.constant 0 : i32
    return %c0_i32, %c0_i32_0 : i32, i32
  }
  func.func @transform_2(%arg0: i32) -> (i32, i32) {
    %c0_i32 = arith.constant 0 : i32
    %c0_i32_0 = arith.constant 0 : i32
    %c0_i32_1 = arith.constant 0 : i32
    return %c0_i32, %c0_i32_0 : i32, i32
  }
  func.func @transform_3(%arg0: i32) -> (i32, i32) {
    %c0_i32 = arith.constant 0 : i32
    %c0_i32_0 = arith.constant 0 : i32
    %c0_i32_1 = arith.constant 0 : i32
    return %c0_i32, %c0_i32_0 : i32, i32
  }
  func.func @transform_4(%arg0: i32) -> (i32, i32) {
    %c0_i32 = arith.constant 0 : i32
    %c0_i32_0 = arith.constant 0 : i32
    return %arg0, %c0_i32 : i32, i32
  }
  func.func @transform_5(%arg0: i32) -> (i32, i32) {
    %c0_i32 = arith.constant 0 : i32
    %c0_i32_0 = arith.constant 0 : i32
    return %arg0, %c0_i32 : i32, i32
  }
}

module attributes {stable_mosaic.version = 14 : i64} {
  func.func @_combine_proj_body(%arg0: i32, %arg1: memref<2x2000x64xf32, #tpu.memory_space<vmem>>, %arg2: memref<2x2000x16xf32, #tpu.memory_space<vmem>>, %arg3: memref<2000x64xf32, #tpu.memory_space<vmem>>, %arg4: memref<64x64xf32, #tpu.memory_space<vmem>>, %arg5: memref<64x64xf32, #tpu.memory_space<vmem>>, %arg6: memref<1x64xf32, #tpu.memory_space<vmem>>, %arg7: memref<2000x64xf32, #tpu.memory_space<vmem>>, %arg8: memref<2000x64xf32, #tpu.memory_space<vmem>>) attributes {dimension_semantics = [#tpu.dimension_semantics<arbitrary>], iteration_bounds = array<i64: 5>, scalar_prefetch = 0 : i64, scratch_operands = 0 : i64, tpu.core_type = #tpu.core_type<tc>, window_params = [{transform_indices = @transform_0, window_bounds = array<i64: 2, 2000, 64>}, {transform_indices = @transform_1, window_bounds = array<i64: 2, 2000, 16>}, {transform_indices = @transform_2, window_bounds = array<i64: 2000, 64>}, {pipeline_mode = #tpu.pipeline_mode<synchronous>, transform_indices = @transform_3, window_bounds = array<i64: 64, 64>}, {pipeline_mode = #tpu.pipeline_mode<synchronous>, transform_indices = @transform_4, window_bounds = array<i64: 64, 64>}, {pipeline_mode = #tpu.pipeline_mode<synchronous>, transform_indices = @transform_5, window_bounds = array<i64: 1, 64>}, {transform_indices = @transform_6, window_bounds = array<i64: 2000, 64>}, {transform_indices = @transform_7, window_bounds = array<i64: 2000, 64>}]} {
    %get3A = arith.constant 0 : index
    %get3A_0 = arith.constant 0 : index
    %get3A_1 = arith.constant 0 : index
    %get3A_2 = vector.load %arg2[%get3A, %get3A_0, %get3A_1] : memref<2x2000x16xf32, #tpu.memory_space<vmem>>, vector<1x2000x1xf32>
    %get3A_3 = vector.shape_cast %get3A_2 : vector<1x2000x1xf32> to vector<2000x1xf32>
    %get3A_4 = arith.constant 1 : index
    %get3A_5 = arith.constant 0 : index
    %get3A_6 = arith.constant 0 : index
    %get3A_7 = vector.load %arg2[%get3A_4, %get3A_5, %get3A_6] : memref<2x2000x16xf32, #tpu.memory_space<vmem>>, vector<1x2000x1xf32>
    %get3A_8 = vector.shape_cast %get3A_7 : vector<1x2000x1xf32> to vector<2000x1xf32>
    %add3A = arith.addf %get3A_3, %get3A_8 : vector<2000x1xf32>
    %max3A = arith.constant 1.000000e+00 : f32
    %max3A_9 = vector.broadcast %max3A : f32 to vector<2000x1xf32>
    %max3A_10 = arith.maximumf %add3A, %max3A_9 : vector<2000x1xf32>
    %div3A = arith.constant 1.000000e+00 : f32
    %div3A_11 = vector.broadcast %div3A : f32 to vector<2000x1xf32>
    %div3A_12 = arith.divf %div3A_11, %max3A_10 : vector<2000x1xf32>
    %get3A_13 = arith.constant 0 : index
    %get3A_14 = arith.constant 0 : index
    %get3A_15 = arith.constant 0 : index
    %get3A_16 = vector.load %arg1[%get3A_13, %get3A_14, %get3A_15] : memref<2x2000x64xf32, #tpu.memory_space<vmem>>, vector<1x2000x64xf32>
    %get3A_17 = vector.shape_cast %get3A_16 : vector<1x2000x64xf32> to vector<2000x64xf32>
    %get3A_18 = arith.constant 1 : index
    %get3A_19 = arith.constant 0 : index
    %get3A_20 = arith.constant 0 : index
    %get3A_21 = vector.load %arg1[%get3A_18, %get3A_19, %get3A_20] : memref<2x2000x64xf32, #tpu.memory_space<vmem>>, vector<1x2000x64xf32>
    %get3A_22 = vector.shape_cast %get3A_21 : vector<1x2000x64xf32> to vector<2000x64xf32>
    %add3A_23 = arith.addf %get3A_17, %get3A_22 : vector<2000x64xf32>
    %mul3A = vector.broadcast %div3A_12 : vector<2000x1xf32> to vector<2000x64xf32>
    %mul3A_24 = arith.mulf %add3A_23, %mul3A : vector<2000x64xf32>
    %get3A_25 = arith.constant 0 : index
    %get3A_26 = arith.constant 0 : index
    %get3A_27 = vector.load %arg3[%get3A_25, %get3A_26] : memref<2000x64xf32, #tpu.memory_space<vmem>>, vector<2000x64xf32>
    %add3A_28 = arith.addf %mul3A_24, %get3A_27 : vector<2000x64xf32>
    %ge3A = arith.constant 0.000000e+00 : f32
    %ge3A_29 = vector.broadcast %ge3A : f32 to vector<2000x64xf32>
    %ge3A_30 = arith.cmpf oge, %add3A_28, %ge3A_29 : vector<2000x64xf32>
    %mul3A_31 = arith.constant 0.00999999977 : f32
    %mul3A_32 = vector.broadcast %mul3A_31 : f32 to vector<2000x64xf32>
    %mul3A_33 = arith.mulf %mul3A_32, %add3A_28 : vector<2000x64xf32>
    %select_n3A = arith.select %ge3A_30, %add3A_28, %mul3A_33 : vector<2000x64xi1>, vector<2000x64xf32>
    %get3A_34 = arith.constant 0 : index
    %get3A_35 = arith.constant 0 : index
    %get3A_36 = vector.load %arg4[%get3A_34, %get3A_35] : memref<64x64xf32, #tpu.memory_space<vmem>>, vector<64x64xf32>
    %dot_general3A = arith.constant dense<0.000000e+00> : vector<2000x64xf32>
    %dot_general3A_37 = tpu.matmul %select_n3A, %get3A_36, %dot_general3A {dimension_numbers = #tpu.dot_dimension_numbers<[1], [0], [0], [1], [0, 0, 1, 1], [], []>, transpose_lhs_hint = false} : vector<2000x64xf32>, vector<64x64xf32>, vector<2000x64xf32> -> vector<2000x64xf32>
    %swap3A = arith.constant 0 : index
    %swap3A_38 = arith.constant 0 : index
    %swap3A_39 = vector.load %arg7[%swap3A, %swap3A_38] : memref<2000x64xf32, #tpu.memory_space<vmem>>, vector<2000x64xf32>
    tpu.vector_store %arg7[%swap3A, %swap3A_38], %dot_general3A_37 {strides = array<i32>} : memref<2000x64xf32, #tpu.memory_space<vmem>>, vector<2000x64xf32>,
    %get3A_40 = arith.constant 0 : index
    %get3A_41 = arith.constant 0 : index
    %get3A_42 = vector.load %arg5[%get3A_40, %get3A_41] : memref<64x64xf32, #tpu.memory_space<vmem>>, vector<64x64xf32>
    %dot_general3A_43 = arith.constant dense<0.000000e+00> : vector<2000x64xf32>
    %dot_general3A_44 = tpu.matmul %select_n3A, %get3A_42, %dot_general3A_43 {dimension_numbers = #tpu.dot_dimension_numbers<[1], [0], [0], [1], [0, 0, 1, 1], [], []>, transpose_lhs_hint = false} : vector<2000x64xf32>, vector<64x64xf32>, vector<2000x64xf32> -> vector<2000x64xf32>
    %get3A_45 = arith.constant 0 : index
    %get3A_46 = arith.constant 0 : index
    %get3A_47 = vector.load %arg6[%get3A_45, %get3A_46] : memref<1x64xf32, #tpu.memory_space<vmem>>, vector<1x64xf32>
    %add3A_48 = vector.broadcast %get3A_47 : vector<1x64xf32> to vector<2000x64xf32>
    %add3A_49 = arith.addf %dot_general3A_44, %add3A_48 : vector<2000x64xf32>
    %swap3A_50 = arith.constant 0 : index
    %swap3A_51 = arith.constant 0 : index
    %swap3A_52 = vector.load %arg8[%swap3A_50, %swap3A_51] : memref<2000x64xf32, #tpu.memory_space<vmem>>, vector<2000x64xf32>
    tpu.vector_store %arg8[%swap3A_50, %swap3A_51], %add3A_49 {strides = array<i32>} : memref<2000x64xf32, #tpu.memory_space<vmem>>, vector<2000x64xf32>,
    return
  }
  func.func @transform_0(%arg0: i32) -> (i32, i32, i32) {
    %c0_i32 = arith.constant 0 : i32
    %c0_i32_0 = arith.constant 0 : i32
    %c0_i32_1 = arith.constant 0 : i32
    return %c0_i32, %arg0, %c0_i32_0 : i32, i32, i32
  }
  func.func @transform_1(%arg0: i32) -> (i32, i32, i32) {
    %c0_i32 = arith.constant 0 : i32
    %c0_i32_0 = arith.constant 0 : i32
    %c0_i32_1 = arith.constant 0 : i32
    return %c0_i32, %arg0, %c0_i32_0 : i32, i32, i32
  }
  func.func @transform_2(%arg0: i32) -> (i32, i32) {
    %c0_i32 = arith.constant 0 : i32
    %c0_i32_0 = arith.constant 0 : i32
    return %arg0, %c0_i32 : i32, i32
  }
  func.func @transform_3(%arg0: i32) -> (i32, i32) {
    %c0_i32 = arith.constant 0 : i32
    %c0_i32_0 = arith.constant 0 : i32
    %c0_i32_1 = arith.constant 0 : i32
    return %c0_i32, %c0_i32_0 : i32, i32
  }
  func.func @transform_4(%arg0: i32) -> (i32, i32) {
    %c0_i32 = arith.constant 0 : i32
    %c0_i32_0 = arith.constant 0 : i32
    %c0_i32_1 = arith.constant 0 : i32
    return %c0_i32, %c0_i32_0 : i32, i32
  }
  func.func @transform_5(%arg0: i32) -> (i32, i32) {
    %c0_i32 = arith.constant 0 : i32
    %c0_i32_0 = arith.constant 0 : i32
    %c0_i32_1 = arith.constant 0 : i32
    return %c0_i32, %c0_i32_0 : i32, i32
  }
  func.func @transform_6(%arg0: i32) -> (i32, i32) {
    %c0_i32 = arith.constant 0 : i32
    %c0_i32_0 = arith.constant 0 : i32
    return %arg0, %c0_i32 : i32, i32
  }
  func.func @transform_7(%arg0: i32) -> (i32, i32) {
    %c0_i32 = arith.constant 0 : i32
    %c0_i32_0 = arith.constant 0 : i32
    return %arg0, %c0_i32 : i32, i32
  }
}

module attributes {stable_mosaic.version = 14 : i64} {
  func.func @_combine_fc_body(%arg0: i32, %arg1: memref<2x2000x64xf32, #tpu.memory_space<vmem>>, %arg2: memref<2x2000x16xf32, #tpu.memory_space<vmem>>, %arg3: memref<2000x64xf32, #tpu.memory_space<vmem>>, %arg4: memref<64x64xf32, #tpu.memory_space<vmem>>, %arg5: memref<1x64xf32, #tpu.memory_space<vmem>>, %arg6: memref<2000x64xf32, #tpu.memory_space<vmem>>) attributes {dimension_semantics = [#tpu.dimension_semantics<arbitrary>], iteration_bounds = array<i64: 5>, scalar_prefetch = 0 : i64, scratch_operands = 0 : i64, tpu.core_type = #tpu.core_type<tc>, window_params = [{transform_indices = @transform_0, window_bounds = array<i64: 2, 2000, 64>}, {transform_indices = @transform_1, window_bounds = array<i64: 2, 2000, 16>}, {transform_indices = @transform_2, window_bounds = array<i64: 2000, 64>}, {pipeline_mode = #tpu.pipeline_mode<synchronous>, transform_indices = @transform_3, window_bounds = array<i64: 64, 64>}, {pipeline_mode = #tpu.pipeline_mode<synchronous>, transform_indices = @transform_4, window_bounds = array<i64: 1, 64>}, {transform_indices = @transform_5, window_bounds = array<i64: 2000, 64>}]} {
    %get3A = arith.constant 0 : index
    %get3A_0 = arith.constant 0 : index
    %get3A_1 = arith.constant 0 : index
    %get3A_2 = vector.load %arg2[%get3A, %get3A_0, %get3A_1] : memref<2x2000x16xf32, #tpu.memory_space<vmem>>, vector<1x2000x1xf32>
    %get3A_3 = vector.shape_cast %get3A_2 : vector<1x2000x1xf32> to vector<2000x1xf32>
    %get3A_4 = arith.constant 1 : index
    %get3A_5 = arith.constant 0 : index
    %get3A_6 = arith.constant 0 : index
    %get3A_7 = vector.load %arg2[%get3A_4, %get3A_5, %get3A_6] : memref<2x2000x16xf32, #tpu.memory_space<vmem>>, vector<1x2000x1xf32>
    %get3A_8 = vector.shape_cast %get3A_7 : vector<1x2000x1xf32> to vector<2000x1xf32>
    %add3A = arith.addf %get3A_3, %get3A_8 : vector<2000x1xf32>
    %max3A = arith.constant 1.000000e+00 : f32
    %max3A_9 = vector.broadcast %max3A : f32 to vector<2000x1xf32>
    %max3A_10 = arith.maximumf %add3A, %max3A_9 : vector<2000x1xf32>
    %div3A = arith.constant 1.000000e+00 : f32
    %div3A_11 = vector.broadcast %div3A : f32 to vector<2000x1xf32>
    %div3A_12 = arith.divf %div3A_11, %max3A_10 : vector<2000x1xf32>
    %get3A_13 = arith.constant 0 : index
    %get3A_14 = arith.constant 0 : index
    %get3A_15 = arith.constant 0 : index
    %get3A_16 = vector.load %arg1[%get3A_13, %get3A_14, %get3A_15] : memref<2x2000x64xf32, #tpu.memory_space<vmem>>, vector<1x2000x64xf32>
    %get3A_17 = vector.shape_cast %get3A_16 : vector<1x2000x64xf32> to vector<2000x64xf32>
    %get3A_18 = arith.constant 1 : index
    %get3A_19 = arith.constant 0 : index
    %get3A_20 = arith.constant 0 : index
    %get3A_21 = vector.load %arg1[%get3A_18, %get3A_19, %get3A_20] : memref<2x2000x64xf32, #tpu.memory_space<vmem>>, vector<1x2000x64xf32>
    %get3A_22 = vector.shape_cast %get3A_21 : vector<1x2000x64xf32> to vector<2000x64xf32>
    %add3A_23 = arith.addf %get3A_17, %get3A_22 : vector<2000x64xf32>
    %mul3A = vector.broadcast %div3A_12 : vector<2000x1xf32> to vector<2000x64xf32>
    %mul3A_24 = arith.mulf %add3A_23, %mul3A : vector<2000x64xf32>
    %get3A_25 = arith.constant 0 : index
    %get3A_26 = arith.constant 0 : index
    %get3A_27 = vector.load %arg3[%get3A_25, %get3A_26] : memref<2000x64xf32, #tpu.memory_space<vmem>>, vector<2000x64xf32>
    %add3A_28 = arith.addf %mul3A_24, %get3A_27 : vector<2000x64xf32>
    %ge3A = arith.constant 0.000000e+00 : f32
    %ge3A_29 = vector.broadcast %ge3A : f32 to vector<2000x64xf32>
    %ge3A_30 = arith.cmpf oge, %add3A_28, %ge3A_29 : vector<2000x64xf32>
    %mul3A_31 = arith.constant 0.00999999977 : f32
    %mul3A_32 = vector.broadcast %mul3A_31 : f32 to vector<2000x64xf32>
    %mul3A_33 = arith.mulf %mul3A_32, %add3A_28 : vector<2000x64xf32>
    %select_n3A = arith.select %ge3A_30, %add3A_28, %mul3A_33 : vector<2000x64xi1>, vector<2000x64xf32>
    %get3A_34 = arith.constant 0 : index
    %get3A_35 = arith.constant 0 : index
    %get3A_36 = vector.load %arg4[%get3A_34, %get3A_35] : memref<64x64xf32, #tpu.memory_space<vmem>>, vector<64x64xf32>
    %dot_general3A = arith.constant dense<0.000000e+00> : vector<2000x64xf32>
    %dot_general3A_37 = tpu.matmul %select_n3A, %get3A_36, %dot_general3A {dimension_numbers = #tpu.dot_dimension_numbers<[1], [0], [0], [1], [0, 0, 1, 1], [], []>, transpose_lhs_hint = false} : vector<2000x64xf32>, vector<64x64xf32>, vector<2000x64xf32> -> vector<2000x64xf32>
    %get3A_38 = arith.constant 0 : index
    %get3A_39 = arith.constant 0 : index
    %get3A_40 = vector.load %arg5[%get3A_38, %get3A_39] : memref<1x64xf32, #tpu.memory_space<vmem>>, vector<1x64xf32>
    %add3A_41 = vector.broadcast %get3A_40 : vector<1x64xf32> to vector<2000x64xf32>
    %add3A_42 = arith.addf %dot_general3A_37, %add3A_41 : vector<2000x64xf32>
    %swap3A = arith.constant 0 : index
    %swap3A_43 = arith.constant 0 : index
    %swap3A_44 = vector.load %arg6[%swap3A, %swap3A_43] : memref<2000x64xf32, #tpu.memory_space<vmem>>, vector<2000x64xf32>
    tpu.vector_store %arg6[%swap3A, %swap3A_43], %add3A_42 {strides = array<i32>} : memref<2000x64xf32, #tpu.memory_space<vmem>>, vector<2000x64xf32>,
    return
  }
  func.func @transform_0(%arg0: i32) -> (i32, i32, i32) {
    %c0_i32 = arith.constant 0 : i32
    %c0_i32_0 = arith.constant 0 : i32
    %c0_i32_1 = arith.constant 0 : i32
    return %c0_i32, %arg0, %c0_i32_0 : i32, i32, i32
  }
  func.func @transform_1(%arg0: i32) -> (i32, i32, i32) {
    %c0_i32 = arith.constant 0 : i32
    %c0_i32_0 = arith.constant 0 : i32
    %c0_i32_1 = arith.constant 0 : i32
    return %c0_i32, %arg0, %c0_i32_0 : i32, i32, i32
  }
  func.func @transform_2(%arg0: i32) -> (i32, i32) {
    %c0_i32 = arith.constant 0 : i32
    %c0_i32_0 = arith.constant 0 : i32
    return %arg0, %c0_i32 : i32, i32
  }
  func.func @transform_3(%arg0: i32) -> (i32, i32) {
    %c0_i32 = arith.constant 0 : i32
    %c0_i32_0 = arith.constant 0 : i32
    %c0_i32_1 = arith.constant 0 : i32
    return %c0_i32, %c0_i32_0 : i32, i32
  }
  func.func @transform_4(%arg0: i32) -> (i32, i32) {
    %c0_i32 = arith.constant 0 : i32
    %c0_i32_0 = arith.constant 0 : i32
    %c0_i32_1 = arith.constant 0 : i32
    return %c0_i32, %c0_i32_0 : i32, i32
  }
  func.func @transform_5(%arg0: i32) -> (i32, i32) {
    %c0_i32 = arith.constant 0 : i32
    %c0_i32_0 = arith.constant 0 : i32
    return %arg0, %c0_i32 : i32, i32
  }
}

module attributes {stable_mosaic.version = 14 : i64} {
  func.func @_sim_body(%arg0: i32, %arg1: memref<400x64xf32, #tpu.memory_space<vmem>>, %arg2: memref<10000x64xf32, #tpu.memory_space<vmem>>, %arg3: memref<400x10000xf32, #tpu.memory_space<vmem>>) attributes {dimension_semantics = [#tpu.dimension_semantics<arbitrary>], iteration_bounds = array<i64: 25>, scalar_prefetch = 0 : i64, scratch_operands = 0 : i64, tpu.core_type = #tpu.core_type<tc>, window_params = [{transform_indices = @transform_0, window_bounds = array<i64: 400, 64>}, {pipeline_mode = #tpu.pipeline_mode<synchronous>, transform_indices = @transform_1, window_bounds = array<i64: 10000, 64>}, {transform_indices = @transform_2, window_bounds = array<i64: 400, 10000>}]} {
    %get3A = arith.constant 0 : index
    %get3A_0 = arith.constant 0 : index
    %get3A_1 = vector.load %arg1[%get3A, %get3A_0] : memref<400x64xf32, #tpu.memory_space<vmem>>, vector<400x64xf32>
    %convert_element_type3A = arith.truncf %get3A_1 : vector<400x64xf32> to vector<400x64xbf16>
    %get3A_2 = arith.constant 0 : index
    %get3A_3 = arith.constant 0 : index
    %get3A_4 = vector.load %arg2[%get3A_2, %get3A_3] : memref<10000x64xf32, #tpu.memory_space<vmem>>, vector<10000x64xf32>
    %convert_element_type3A_5 = arith.truncf %get3A_4 : vector<10000x64xf32> to vector<10000x64xbf16>
    %dot_general3A = arith.constant dense<0.000000e+00> : vector<400x10000xf32>
    %dot_general3A_6 = tpu.matmul %convert_element_type3A, %convert_element_type3A_5, %dot_general3A {dimension_numbers = #tpu.dot_dimension_numbers<[1], [1], [0], [0], [0, 0, 1, 0], [], []>, transpose_lhs_hint = false} : vector<400x64xbf16>, vector<10000x64xbf16>, vector<400x10000xf32> -> vector<400x10000xf32>
    %logistic3A = arith.negf %dot_general3A_6 : vector<400x10000xf32>
    %logistic3A_7 = math.exp %logistic3A : vector<400x10000xf32>
    %logistic3A_8 = arith.constant 1.000000e+00 : f32
    %logistic3A_9 = vector.broadcast %logistic3A_8 : f32 to vector<400x10000xf32>
    %logistic3A_10 = arith.addf %logistic3A_9, %logistic3A_7 : vector<400x10000xf32>
    %logistic3A_11 = arith.divf %logistic3A_9, %logistic3A_10 : vector<400x10000xf32>
    %swap3A = arith.constant 0 : index
    %swap3A_12 = arith.constant 0 : index
    %swap3A_13 = vector.load %arg3[%swap3A, %swap3A_12] : memref<400x10000xf32, #tpu.memory_space<vmem>>, vector<400x10000xf32>
    tpu.vector_store %arg3[%swap3A, %swap3A_12], %logistic3A_11 {strides = array<i32>} : memref<400x10000xf32, #tpu.memory_space<vmem>>, vector<400x10000xf32>,
    return
  }
  func.func @transform_0(%arg0: i32) -> (i32, i32) {
    %c0_i32 = arith.constant 0 : i32
    %c0_i32_0 = arith.constant 0 : i32
    return %arg0, %c0_i32 : i32, i32
  }
  func.func @transform_1(%arg0: i32) -> (i32, i32) {
    %c0_i32 = arith.constant 0 : i32
    %c0_i32_0 = arith.constant 0 : i32
    %c0_i32_1 = arith.constant 0 : i32
    return %c0_i32, %c0_i32_0 : i32, i32
  }
  func.func @transform_2(%arg0: i32) -> (i32, i32) {
    %c0_i32 = arith.constant 0 : i32
    %c0_i32_0 = arith.constant 0 : i32
    return %arg0, %c0_i32 : i32, i32
  }
}

</mosaic_0001>

<sc_bundles>
// kernel: kernel.11.cloned.1.call-start
scs
__scs_entry_jumppad:
0x0: {  	(pc) =	sbr.rel $0x88, $3  }
0x1: {  	(tag) =	ssettag $0x0;
	lr =	simm.s32 $0x1  }
0x2: {  	[smem:$0x3F97] =	sst lr;
	_ =	strace $0xD0000000  }
0x3: {  	_ = 	snop  }
0x4: {  	_ = 	snop  }
0x5: {  	_ = 	snop  }
0x6: {  	_ = 	snop  }
0x7: {  	_ = 	snop  }
__scs_overlays_trampoline_lowered:
0x8: {  	[smem:$0x3FA6] =	sst s0  }
0x9: {  	[smem:$0x3FA7] =	sst s1  }
0xa: {  	[smem:$0x3FA8] =	sst s2  }
0xb: {  	[smem:$0x3FA9] =	sst s3  }
0xc: {  	[smem:$0x3FAA] =	sst s4  }
0xd: {  	[smem:$0x3FAB] =	sst s5  }
0xe: {  	[smem:$0x3FAC] =	sst s6  }
0xf: {  	[smem:$0x3FAD] =	sst s7  }
0x10: {  	[smem:$0x3FAE] =	sst s8  }
0x11: {  	[smem:$0x3FAF] =	sst s9;
	s0 =	simm.s32 @!p0 $0x0  }
0x12: {  	s1 =	sld [smem:$0x3F95];
	s0 =	simm.s32 @p0 $0x1  }
0x13: {  	[smem:$0x3FB0] =	sst s0;
	s0 =	simm.s32 @!p1 $0x0  }
0x14: {  	s2 =	sld [smem:$0x3F94];
	s0 =	simm.s32 @p1 $0x1  }
0x15: {  	[smem:$0x3FB1] =	sst s0;
	s0 =	simm.s32 @!p2 $0x0  }
0x16: {  	s3 =	sld [smem:$0x3FDB];
	s0 =	simm.s32 @p2 $0x1  }
0x17: {  	s4 =	simm.s32 $0x1BF5;
	[smem:$0x3FB3] =	sst s0  }
0x18: {  	s0 =	sld [smem:$0x3F96];
	_ =	swait.ge [sflag:s4], $0x0  }
0x19: {  	s7 =	sld [smem:$0x3F97]  }
0x1a: {  	s8 =	sadd.s32 $0xFFFFE003, lr  }
0x1b: {  	s9 =	sadd.s32 $0xFFFFFEF7, lr;
	s5 =	simm.s32 $0xFFFFFFFF;
	p2 =	slt.u32 s8, $0xFFFFF086  }
0x1c: {  	p1 =	slt.u32 s9, $0xF7A;
	s5 =	simm.s32 @!p2 $0x0  }
0x1d: {  	s5 =	simm.s32 @p1 $0x1;
	p0 =	seq.s32 s7, s2  }
0x1e: {  	s7 =	smul.u32 @!p0 $0xF7A, s2;
	p2 =	seq.s32 @!p0 s5, $0x0  }
0x1f: {  	s9 =	smul.u32 $0xF7A, s1;
	s8 =	simm.s32 @!p0 $0x1BF5;
	p2 =	por !p2, p0  }
0x20: {  	[sflag:s8] =	ssyncset.s32 @!p0 $0xFFFFF086;
	s6 =	sadd.s32 @!p0 s3, s7;
	s7 =	simm.s32 @!p0 $0x108  }
0x21: {  	s3 =	sadd.s32 s3, s9;
	s6 =	sadd.s32 @!p0 $0x88, s6;
	s7 =	simm.s32 @p2 $0x1082  }
0x22: {  	[simem:s7], [sflag:s8] =	dma.local @!p0 [hbm:s6], $0xF7A  }
0x23: {  	s9 =	sor.u32 $0xD0000000, s2;
	s6 =	simm.s32 $0x108;
	_ =	swait.ge @!p0 [sflag:s8], $0x0  }
0x24: {  	s3 =	sadd.s32 $0x88, s3;
	s6 =	simm.s32 @!p1 $0x1082;
	[sflag:s4] =	ssyncset.s32 $0xFFFFF086  }
0x25: {  	[simem:s6], [sflag:s4] =	dma.local [hbm:s3], $0xF7A  }
0x26: {  	[smem:$0x3F97] =	sst s1;
	(tag) =	ssettag s2;
	_ =	strace s9  }
0x27: {  	s1 =	sld [smem:$0x3FA7]  }
0x28: {  	s2 =	sld [smem:$0x3FA8]  }
0x29: {  	s4 =	sld [smem:$0x3FAA]  }
0x2a: {  	p0 =	seq.s32 s5, $0x0;
	s5 =	sld [smem:$0x3FAB]  }
0x2b: {  	s6 =	sld [smem:$0x3FAC]  }
0x2c: {  	s7 =	sld [smem:$0x3FAD]  }
0x2d: {  	s3 =	simm.s32 $0x108;
	s8 =	sld [smem:$0x3FAE]  }
0x2e: {  	s3 =	simm.s32 @!p0 $0x1082;
	s9 =	sld [smem:$0x3FAF]  }
0x2f: {  	lr =	sadd.s32 s0, s3;
	s0 =	sld [smem:$0x3FA6]  }
0x30: {  	s3 =	sld [smem:$0x3FA9]  }
0x31: {  	[smem:$0x3FB2] =	sst s10  }
0x32: {  	s10 =	sld [smem:$0x3FB0];
	_ =	sdelay $0x3  }
0x33: {  	p0 =	seq.s32 s10, $0x1;
	s10 =	sld [smem:$0x3FB2];
	_ =	sdelay $0x3  }
0x34: {  	[smem:$0x3FB2] =	sst s10  }
0x35: {  	s10 =	sld [smem:$0x3FB1];
	_ =	sdelay $0x3  }
0x36: {  	p1 =	seq.s32 s10, $0x1;
	s10 =	sld [smem:$0x3FB2];
	_ =	sdelay $0x3  }
0x37: {  	[smem:$0x3FB2] =	sst s10  }
0x38: {  	s10 =	sld [smem:$0x3FB3]  }
0x39: {  	_ = 	snop;
	(pc) =	sbr.ind lr, $3  }
0x3a: {  	_ = 	snop  }
0x3b: {  	_ = 	snop  }
0x3c: {  	p2 =	seq.s32 s10, $0x1;
	s10 =	sld [smem:$0x3FB2]  }
0x3d: {  	_ =	shalt  }
0x3e: {  	_ =	shalt  }
0x3f: {  	_ =	shalt  }
0x40: {  	_ =	shalt  }
0x41: {  	_ =	shalt  }
0x42: {  	_ =	shalt  }
0x43: {  	_ =	shalt  }
0x44: {  	_ =	shalt  }
0x45: {  	_ =	shalt  }
0x46: {  	_ =	shalt  }
0x47: {  	_ =	shalt  }
0x48: {  	_ =	shalt  }
0x49: {  	_ =	shalt  }
0x4a: {  	_ =	shalt  }
0x4b: {  	_ =	shalt  }
0x4c: {  	_ =	shalt  }
0x4d: {  	_ =	shalt  }
0x4e: {  	_ =	shalt  }
0x4f: {  	_ =	shalt  }
0x50: {  	_ =	shalt  }
0x51: {  	_ =	shalt  }
0x52: {  	_ =	shalt  }
0x53: {  	_ =	shalt  }
0x54: {  	_ =	shalt  }
0x55: {  	_ =	shalt  }
0x56: {  	_ =	shalt  }
0x57: {  	_ =	shalt  }
0x58: {  	_ =	shalt  }
0x59: {  	_ =	shalt  }
0x5a: {  	_ =	shalt  }
0x5b: {  	_ =	shalt  }
0x5c: {  	_ =	shalt  }
0x5d: {  	_ =	shalt  }
0x5e: {  	_ =	shalt  }
0x5f: {  	_ =	shalt  }
0x60: {  	_ =	shalt  }
0x61: {  	_ =	shalt  }
0x62: {  	_ =	shalt  }
0x63: {  	_ =	shalt  }
0x64: {  	_ =	shalt  }
0x65: {  	_ =	shalt  }
0x66: {  	_ =	shalt  }
0x67: {  	_ =	shalt  }
0x68: {  	_ =	shalt  }
0x69: {  	_ =	shalt  }
0x6a: {  	_ =	shalt  }
0x6b: {  	_ =	shalt  }
0x6c: {  	_ =	shalt  }
0x6d: {  	_ =	shalt  }
0x6e: {  	_ =	shalt  }
0x6f: {  	_ =	shalt  }
0x70: {  	_ =	shalt  }
0x71: {  	_ =	shalt  }
0x72: {  	_ =	shalt  }
0x73: {  	_ =	shalt  }
0x74: {  	_ =	shalt  }
0x75: {  	_ =	shalt  }
0x76: {  	_ =	shalt  }
0x77: {  	_ =	shalt  }
0x78: {  	_ =	shalt  }
0x79: {  	_ =	shalt  }
0x7a: {  	_ =	shalt  }
0x7b: {  	_ =	shalt  }
0x7c: {  	_ =	shalt  }
0x7d: {  	_ =	shalt  }
0x7e: {  	_ =	shalt  }
0x7f: {  	_ =	shalt  }
0x80: {  	_ =	shalt  }
0x81: {  	_ =	shalt  }
0x82: {  	_ =	shalt  }
0x83: {  	_ =	shalt  }
0x84: {  	_ =	shalt  }
0x85: {  	_ =	shalt  }
0x86: {  	_ =	shalt  }
0x87: {  	_ =	shalt  }
.Lfunc_end0:
.L_simem_size_0:
called_computation.1_lowered:
.L_overlay_start_0:
0x88: {  	s2 =	sld [smem:$0x3FD9]  }
0x89: {  	s3 =	sld [smem:$0x3FFE];
	_ =	sdelay $0x1  }
0x8a: {  	s1 =	srdreg.scid  }
0x8b: {  	s0 =	sand.u32 $0x1, s1  }
0x8c: {  	s17 =	sshll.u32 s0, $0xA;
	s2 =	sadd.s32 s3, s2  }
0x8d: {  	s2 =	sadd.s32 s2, s17  }
0x8e: {  	[smem:$0x3FBE] =	sst s2  }
0x8f: {  	_ = 	snop  }
0x90: {  	s2 =	sld [smem:$0x3FD0];
	(tm) =	ssettm $0x1  }
0x91: {  	s18 =	sld [smem:$0x3FFB];
	_ =	sdelay $0x3  }
0x92: {  	_ =	strace s18  }
0x93: {  	s3 =	sld [smem:$0x3FFC];
	_ =	sdelay $0x3  }
0x94: {  	_ =	strace s3  }
0x95: {  	s3 =	sld [smem:$0x3FFD];
	_ =	sdelay $0x3  }
0x96: {  	_ =	strace s3  }
0x97: {  	_ =	strace $0x8FFFFFFF  }
0x98: {  	s19 =	sld [smem:$0x3FDB];
	_ =	sdelay $0x1  }
0x99: {  	s4 =	simm.s32 $_scs_section_size  }
0x9a: {  	s5 =	simm.s32 $_size__tile_overlayer_lowered;
	s6 =	simm.s32 $_tile_overlayer_lowered  }
0x9b: {  	s22 =	simm.s32 $0x1BFF;
	s21 =	sshll.u32 s6, $0x1;
	s3 =	sadd.s32 s4, s19  }
0x9c: {  	s7 =	simm.s32 $0x0;
	s20 =	sshll.u32 s5, $0x1;
	s5 =	sadd.s32 s21, s3  }
0x9d: {  	[timem:s7], [sflag:s22] =	dma.local [hbm:s5], s20  }
0x9e: {  	_ =	swait.ge [sflag:s22], s20  }
0x9f: {  	s4 =	ssub.s32 $0x0, s20;
	[sflag:s22] =	ssyncset.done $0x0  }
0xa0: {  	[sflag:s22] =	ssyncadd.s32 s4;
	_ =	sdelay $0x1  }
0xa1: {  	s23 =	simm.s32 $0x1B8B  }
0xa2: {  	_ =	swait.ge [sflag:s23], $0x1  }
0xa3: {  	[sflag:s23] =	ssyncset.done $0x0  }
0xa4: {  	s25 =	simm.s32 $0x1B8E;
	s24 =	sld [smem:$0x3FFE];
	[sflag:s23] =	ssyncadd.s32 $0xFFFFFFFF  }
0xa5: {  	s26 =	simm.s32 $execute0_lowered;
	[smem:$0x3FD2] =	sst s25  }
0xa6: {  	s5 =	sshll.u32 s26, $0x1;
	_ =	strace $0x80000049;
	[dreg:$0x1] =	wrdreg $0xFFFFFFFF  }
0xa7: {  	s28 =	simm.s32 $_size_execute0_lowered;
	s3 =	sadd.s32 s3, s5;
	[dreg:$0x0] =	wrdreg $0x0  }
0xa8: {  	s5 =	sshll.u32 s28, $0x1;
	[dreg:$0x2] =	wrdreg s3  }
0xa9: {  	[dreg:$0x3] =	wrdreg s5  }
0xaa: {  	[dreg:$0x4] =	wrdreg $0xC0  }
0xab: {  	_ =	task [dreg:s7], $0x5FFFF  }
0xac: {  	[dreg:$0x1] =	wrdreg $0xFFFFFFFF  }
0xad: {  	[dreg:$0x0] =	wrdreg $0x60  }
0xae: {  	[dreg:$0x2] =	wrdreg s24  }
0xaf: {  	[dreg:$0x3] =	wrdreg s2  }
0xb0: {  	[dreg:$0x4] =	wrdreg $0x90000  }
0xb1: {  	[dreg:$0x5] =	wrdreg $0x12C400  }
0xb2: {  	[dreg:$0x6] =	wrdreg $0x9  }
0xb3: {  	_ =	task.clear_ibuf [dreg:s7], $0x7FFFF;
	_ =	strace $0x90000049  }
0xb4: {  	s29 =	simm.s32 $0x9;
	_ =	strace $0x8000004B  }
0xb5: {  	_ =	swait.ge [sflag:s29], $0x1  }
0xb6: {  	[sflag:s29] =	ssyncadd.s32 $0xFFFFFFFF  }
0xb7: {  	_ =	strace $0x9000004B  }
0xb8: {  	_ =	sfence  }
0xb9: {  	s30 =	sld [smem:$0x0];
	_ =	sdelay $0x2  }
0xba: {  	s31 =	sshll.u32 s1, $0xD;
	s1 =	sshrl.u32 s1, $0x2  }
0xbb: {  	s3 =	sand.u32 $0x4000, s31;
	s1 =	sadd.s32 s1, s30  }
0xbc: {  	s0 =	sor.u32 s3, s0;
	s1 =	sshll.u32 s1, $0x11  }
0xbd: {  	s0 =	sor.u32 s1, s0  }
0xbe: {  	s0 =	sadd.s32 $0x8F2B, s0  }
0xbf: {  	[sflag:s0] =	ssyncadd.remote.s32 $0x1  }
0xc0: {  	_ =	sfence.sel $0xFFFF  }
0xc1: {  	[dreg:$0x0] =	wrdreg $0xFFFFFFFF;
	(pc) =	sbr.abs _section_cstart, $3  }
0xc2: {  	[dreg:$0x1] =	wrdreg $0xFFFFFFFF  }
0xc3: {  	_ =	task.clear_ibuf [dreg:s7], $0x2FFFF;
	_ =	strace $0x9FFFFFFF  }
0xc4: {  	(tm) =	ssettm $0x7FFFFFFF  }
0xc5: {  	_ =	shalt  }
tec
execute0_lowered:
.L_overlay_start_1:
0x0: {  	(tag) =	ssettag $0x1  }
0x1: {  	s5 =	rddreg [dreg:$0x0]  }
0x2: {  	s10 =	rddreg [dreg:$0x1];
	s1 =	srdreg.scid  }
0x3: {  	s2 =	rddreg [dreg:$0x2];
	s0 =	stileid.u32  }
0x4: {  	s3 =	rddreg [dreg:$0x3];
	s4 =	simm.s32 $0x0;
	s16 =	simm.s32 $0x80  }
0x5: {  	s17 =	simm.s32 $0x5000;
	s18 =	simm.s32 $0x7000;
	s19 =	simm.s32 $0x1  }
0x6: {  	s20 =	simm.s32 $0x2;
	s21 =	simm.s32 $0x4F00;
	s22 =	simm.s32 $0x4F80  }
0x7: {  	s6 =	sand.u32 $0x1, s1;
	s7 =	smul.u32 $0x9C40, s0;
	s1 =	rddreg [dreg:$0x4]  }
0x8: {  	s23 =	simm.s32 $0x0;
	[smem:$0x7FF] =	sst s4;
	s12 =	smul.u32 $0x9E00, s0  }
0x9: {  	s28 =	sshll.u32 s0, $0x6;
	s8 =	sshll.u32 s6, $0x4;
	_ =	strace $0x8000004A  }
0xa: {  	s26 =	ssub.s32 $0x2, s6;
	s14 =	smul.u32 $0x9E000, s6;
	s8 =	sor.u32 s0, s8  }
0xb: {  	s9 =	sshrl.u32 s7, $0x3;
	s13 =	sshrl.u32 s26, $0x1;
	s15 =	sadd.s32 s7, s2  }
0xc: {  	s7 =	sor.u32 $0x1C03, s28;
	s30 =	sadd.s32 s12, s3;
	s8 =	smul.u32 $0x500, s8  }
0xd: {  	s9 =	sadd.s32 s9, s5;
	s13 =	ssub.s32 s26, s13;
	s29 =	sadd.s32 s12, s14  }
0xe: {  	s12 =	sshrl.u32 s15, $0x3;
	s14 =	sshrl.u32 s30, $0x3;
	s15 =	simm.s32 $0x2800  }
0xf: {  	s6 =	sadd.s32 $0x66400, s9;
	s31 =	sshrl.u32 s29, $0x3;
	s11 =	sadd.s32 s8, s5  }
0x10: {  	s5 =	sadd.s32 $0x16000, s5;
	s10 =	sadd.s32 s10, s31;
	s8 =	sadd.s32 $0xB800, s11  }
0x11: {  	s9 =	sadd.s32 $0x1800, s11;
	s11 =	smax.u32 s13, $0x1;
	s13 =	simm.s32 $0x3  }
.LBB2_1:
0x12: {  	[spmem:s12], [sflag:s7] =	dma.local [hbm:s6], $0x1388  }
0x13: {  	_ =	swait.ge [sflag:s13], $0x1388  }
0x14: {  	[sflag:s13] =	ssyncset.done $0x0  }
0x15: {  	[sflag:s13] =	ssyncadd.s32 $0xFFFFEC78  }
0x16: {  	[spmem:s14], [sflag:s7] =	dma.local [hbm:s5], $0x13C0  }
0x17: {  	_ =	swait.ge [sflag:s13], $0x13C0  }
0x18: {  	[sflag:s13] =	ssyncset.done $0x0  }
0x19: {  	[sflag:s13] =	ssyncadd.s32 $0xFFFFEC40  }
0x1a: {  	[tilespmem:s4], [sflag:$0x3] =	stream.linear.gather [hbm4b:s8+s4], $0x2800, $0x38;
	[tilespmem:$0x1CA40] =	vst v63  }
0x1b: {  	_ =	swait.ge [sflag:s13], $0x2800  }
0x1c: {  	[sflag:s13] =	ssyncset.done $0x0  }
0x1d: {  	[sflag:s13] =	ssyncadd.s32 $0xFFFFD800  }
0x1e: {  	[tilespmem:s15], [sflag:$0x3] =	stream.linear.gather [hbm4b:s9+s4], $0x2800, $0x38;
	[tilespmem:$0x1CA40] =	vst v63  }
0x1f: {  	_ =	swait.ge [sflag:s13], $0x2800  }
0x20: {  	[sflag:s13] =	ssyncset.done $0x0  }
0x21: {  	[sflag:s13] =	ssyncadd.s32 $0xFFFFD800  }
0x22: {  	[bflag:$0x0] =	sbarrier.arrive $0xFFFF  }
0x23: {  	[tilespmem:s17], [sflag:$0x1] =	stream.indirect.gather [spmem:s2], $0x40, s4, s16, $0xb8;
	[tilespmem:$0x1CA40] =	vst v63  }
0x24: {  	_ = 	snop  }
0x25: {  	[tilespmem:s18], [sflag:$0x2] =	stream.indirect.gather [spmem:s2], $0x40, s16, s16, $0xb8;
	[tilespmem:$0x1CA40] =	vst v63  }
0x26: {  	_ =	swait.ge [sflag:s19], $0x2000  }
0x27: {  	[sflag:s19] =	ssyncset.done $0x0  }
0x28: {  	s24 =	simm.s32 $0x2800;
	[sflag:s19] =	ssyncadd.s32 $0xFFFFE000  }
0x29: {  	[spmem:s3] =	stream.indirect.scatter.add.f32 [tilespmem:s17], [sflag:$0x3], $0x40, s24, s16, $0xb8;
	[tilespmem:$0x1CA40] =	vst v63  }
0x2a: {  	_ =	swait.ge [sflag:s13], $0x2000  }
0x2b: {  	[sflag:s13] =	ssyncset.done $0x0  }
0x2c: {  	s30 =	simm.s32 $0x100;
	[sflag:s13] =	ssyncadd.s32 $0xFFFFE000  }
0x2d: {  	[tilespmem:s17], [sflag:$0x1] =	stream.indirect.gather [spmem:s2], $0x40, s30, s16, $0xb8;
	[tilespmem:$0x1CA40] =	vst v63  }
0x2e: {  	_ =	swait.ge [sflag:s20], $0x2000  }
0x2f: {  	[sflag:s20] =	ssyncset.done $0x0  }
0x30: {  	s31 =	simm.s32 $0x2880;
	[sflag:s20] =	ssyncadd.s32 $0xFFFFE000  }
0x31: {  	[spmem:s3] =	stream.indirect.scatter.add.f32 [tilespmem:s18], [sflag:$0x3], $0x40, s31, s16, $0xb8;
	[tilespmem:$0x1CA40] =	vst v63  }
0x32: {  	_ =	swait.ge [sflag:s13], $0x2000  }
0x33: {  	[sflag:s13] =	ssyncset.done $0x0  }
0x34: {  	s25 =	simm.s32 $0x180;
	s24 =	simm.s32 $0x400;
	[sflag:s13] =	ssyncadd.s32 $0xFFFFE000  }
.LBB2_2:
0x35: {  	[tilespmem:s18], [sflag:$0x2] =	stream.indirect.gather [spmem:s2], $0x40, s25, s16, $0xb8;
	[tilespmem:$0x1CA40] =	vst v63  }
0x36: {  	s25 =	smov.u32 s24  }
0x37: {  	p0 =	sne.s32 s24, $0x9800;
	s24 =	sadd.s32 $0x400, s24;
	_ =	swait.ge [sflag:s19], $0x2000  }
0x38: {  	s25 =	sshra.s32 s25, $0x2;
	[sflag:s19] =	ssyncset.done $0x0  }
0x39: {  	s26 =	sadd.s32 $0x2800, s25;
	[sflag:s19] =	ssyncadd.s32 $0xFFFFE000  }
0x3a: {  	[spmem:s3] =	stream.indirect.scatter.add.f32 [tilespmem:s17], [sflag:$0x3], $0x40, s26, s16, $0xb8;
	[tilespmem:$0x1CA40] =	vst v63  }
0x3b: {  	_ =	swait.ge [sflag:s13], $0x2000  }
0x3c: {  	[sflag:s13] =	ssyncset.done $0x0  }
0x3d: {  	s26 =	sadd.s32 $0x100, s25;
	[sflag:s13] =	ssyncadd.s32 $0xFFFFE000  }
0x3e: {  	[tilespmem:s17], [sflag:$0x1] =	stream.indirect.gather [spmem:s2], $0x40, s26, s16, $0xb8;
	[tilespmem:$0x1CA40] =	vst v63  }
0x3f: {  	_ =	swait.ge [sflag:s20], $0x2000  }
0x40: {  	[sflag:s20] =	ssyncset.done $0x0  }
.Ltmp0:
0x41: {  	s26 =	sadd.s32 $0x2880, s25;
	[sflag:s20] =	ssyncadd.s32 $0xFFFFE000;
	(pc) =	sbr.rel @p0 .LBB2_2-.Ltmp0, $4  }
0x42: {  	[spmem:s3] =	stream.indirect.scatter.add.f32 [tilespmem:s18], [sflag:$0x3], $0x40, s26, s16, $0xb8;
	[tilespmem:$0x1CA40] =	vst v63  }
0x43: {  	_ =	swait.ge [sflag:s13], $0x2000  }
0x44: {  	[sflag:s13] =	ssyncset.done $0x0  }
0x45: {  	s25 =	sadd.s32 $0x180, s25;
	[sflag:s13] =	ssyncadd.s32 $0xFFFFE000  }
0x46: {  	[tilespmem:s18], [sflag:$0x2] =	stream.indirect.gather [spmem:s2], $0x40, s25, s16, $0xb8;
	[tilespmem:$0x1CA40] =	vst v63  }
0x47: {  	_ =	swait.ge [sflag:s19], $0x2000  }
0x48: {  	[sflag:s19] =	ssyncset.done $0x0  }
0x49: {  	[sflag:s19] =	ssyncadd.s32 $0xFFFFE000  }
0x4a: {  	[spmem:s3] =	stream.indirect.scatter.add.f32 [tilespmem:s17], [sflag:$0x3], $0x40, s21, s16, $0xb8;
	[tilespmem:$0x1CA40] =	vst v63  }
0x4b: {  	_ =	swait.ge [sflag:s13], $0x2000  }
0x4c: {  	[sflag:s13] =	ssyncset.done $0x0  }
0x4d: {  	[sflag:s13] =	ssyncadd.s32 $0xFFFFE000  }
0x4e: {  	_ =	swait.ge [sflag:s20], $0x2000  }
0x4f: {  	[sflag:s20] =	ssyncset.done $0x0  }
0x50: {  	[sflag:s20] =	ssyncadd.s32 $0xFFFFE000  }
0x51: {  	[spmem:s3] =	stream.indirect.scatter.add.f32 [tilespmem:s18], [sflag:$0x3], $0x40, s22, s16, $0xb8;
	[tilespmem:$0x1CA40] =	vst v63  }
0x52: {  	_ =	swait.ge [sflag:s13], $0x2000  }
0x53: {  	s23 =	sadd.s32 $0x1, s23;
	[sflag:s13] =	ssyncset.done $0x0  }
0x54: {  	p0 =	sne.s32 s23, s11;
	[sflag:s13] =	ssyncadd.s32 $0xFFFFE000  }
.Ltmp1:
0x55: {  	[bflag:$0x0] =	sbarrier.arrive $0xFFFF;
	(pc) =	sbr.rel @p0 .LBB2_1-.Ltmp1, $4  }
0x56: {  	[hbm:s10], [sflag:s7] =	dma.local [spmem:s14], $0x13C0  }
0x57: {  	_ =	swait.ge [sflag:s13], $0x13C0  }
0x58: {  	[sflag:s13] =	ssyncset.done $0x0  }
0x59: {  	[sflag:s13] =	ssyncadd.s32 $0xFFFFEC40  }
0x5a: {  	_ =	sfence.sel $0x180000  }
0x5b: {  	[bflag:$0x0] =	sbarrier.arrive $0xFFFF  }
0x5c: {  	p0 =	sne.s32 s0, $0x0;
	_ =	strace $0x9000004A  }
0x5d: {  	s0 =	sadd.s32 @!p0 $0x100000, s1;
	[bflag:$0x2] =	sbarrier.arrive $0xFFFF  }
0x5e: {  	[sflag:s0] =	ssyncadd.tile.s32 @!p0 $0x1;
	_ =	shalt  }
.Lfunc_end2:
_tile_overlayer_lowered:
.L_overlay_start_2:
0x5f: {  	(tag) =	ssettag $0x2  }
0x60: {  	s0 =	rddreg [dreg:$0x0];
	s2 =	stileid.u32  }
0x61: {  	s1 =	rddreg [dreg:$0x1];
	p0 =	sne.s32 s2, $0x0  }
0x62: {  	s3 =	rddreg [dreg:$0x2];
	[bflag:$0x3] =	sbarrier.arrive $0xFFFF;
	s2 =	simm.s32 @!p0 $0x1C03  }
0x63: {  	[timem:s3], [sflag:s2] =	dma.local @!p0 [hbm:s0], s1  }
0x64: {  	s0 =	simm.s32 @!p0 $0x3  }
0x65: {  	_ =	swait.ge @!p0 [sflag:s0], s1  }
0x66: {  	s1 =	ssub.s32 @!p0 $0x0, s1;
	[sflag:s0] =	ssyncset.done @!p0 $0x0  }
0x67: {  	[sflag:s0] =	ssyncadd.s32 @!p0 s1  }
0x68: {  	[bflag:$0x3] =	sbarrier.arrive $0xFFFF  }
0x69: {  	_ =	shalt  }

// kernel: kernel.8.cloned.1.call-start
scs
__scs_entry_jumppad:
0x0: {  	(pc) =	sbr.rel $0x88, $3  }
0x1: {  	(tag) =	ssettag $0x0;
	lr =	simm.s32 $0x1  }
0x2: {  	[smem:$0x3F97] =	sst lr;
	_ =	strace $0xD0000000  }
0x3: {  	_ = 	snop  }
0x4: {  	_ = 	snop  }
0x5: {  	_ = 	snop  }
0x6: {  	_ = 	snop  }
0x7: {  	_ = 	snop  }
__scs_overlays_trampoline_lowered:
0x8: {  	[smem:$0x3FA6] =	sst s0  }
0x9: {  	[smem:$0x3FA7] =	sst s1  }
0xa: {  	[smem:$0x3FA8] =	sst s2  }
0xb: {  	[smem:$0x3FA9] =	sst s3  }
0xc: {  	[smem:$0x3FAA] =	sst s4  }
0xd: {  	[smem:$0x3FAB] =	sst s5  }
0xe: {  	[smem:$0x3FAC] =	sst s6  }
0xf: {  	[smem:$0x3FAD] =	sst s7  }
0x10: {  	[smem:$0x3FAE] =	sst s8  }
0x11: {  	[smem:$0x3FAF] =	sst s9;
	s0 =	simm.s32 @!p0 $0x0  }
0x12: {  	s1 =	sld [smem:$0x3F95];
	s0 =	simm.s32 @p0 $0x1  }
0x13: {  	[smem:$0x3FB0] =	sst s0;
	s0 =	simm.s32 @!p1 $0x0  }
0x14: {  	s2 =	sld [smem:$0x3F94];
	s0 =	simm.s32 @p1 $0x1  }
0x15: {  	[smem:$0x3FB1] =	sst s0;
	s0 =	simm.s32 @!p2 $0x0  }
0x16: {  	s3 =	sld [smem:$0x3FDB];
	s0 =	simm.s32 @p2 $0x1  }
0x17: {  	s4 =	simm.s32 $0x1BF5;
	[smem:$0x3FB3] =	sst s0  }
0x18: {  	s0 =	sld [smem:$0x3F96];
	_ =	swait.ge [sflag:s4], $0x0  }
0x19: {  	s7 =	sld [smem:$0x3F97]  }
0x1a: {  	s8 =	sadd.s32 $0xFFFFE003, lr  }
0x1b: {  	s9 =	sadd.s32 $0xFFFFFEF7, lr;
	s5 =	simm.s32 $0xFFFFFFFF;
	p2 =	slt.u32 s8, $0xFFFFF086  }
0x1c: {  	p1 =	slt.u32 s9, $0xF7A;
	s5 =	simm.s32 @!p2 $0x0  }
0x1d: {  	s5 =	simm.s32 @p1 $0x1;
	p0 =	seq.s32 s7, s2  }
0x1e: {  	s7 =	smul.u32 @!p0 $0xF7A, s2;
	p2 =	seq.s32 @!p0 s5, $0x0  }
0x1f: {  	s9 =	smul.u32 $0xF7A, s1;
	s8 =	simm.s32 @!p0 $0x1BF5;
	p2 =	por !p2, p0  }
0x20: {  	[sflag:s8] =	ssyncset.s32 @!p0 $0xFFFFF086;
	s6 =	sadd.s32 @!p0 s3, s7;
	s7 =	simm.s32 @!p0 $0x108  }
0x21: {  	s3 =	sadd.s32 s3, s9;
	s6 =	sadd.s32 @!p0 $0x88, s6;
	s7 =	simm.s32 @p2 $0x1082  }
0x22: {  	[simem:s7], [sflag:s8] =	dma.local @!p0 [hbm:s6], $0xF7A  }
0x23: {  	s9 =	sor.u32 $0xD0000000, s2;
	s6 =	simm.s32 $0x108;
	_ =	swait.ge @!p0 [sflag:s8], $0x0  }
0x24: {  	s3 =	sadd.s32 $0x88, s3;
	s6 =	simm.s32 @!p1 $0x1082;
	[sflag:s4] =	ssyncset.s32 $0xFFFFF086  }
0x25: {  	[simem:s6], [sflag:s4] =	dma.local [hbm:s3], $0xF7A  }
0x26: {  	[smem:$0x3F97] =	sst s1;
	(tag) =	ssettag s2;
	_ =	strace s9  }
0x27: {  	s1 =	sld [smem:$0x3FA7]  }
0x28: {  	s2 =	sld [smem:$0x3FA8]  }
0x29: {  	s4 =	sld [smem:$0x3FAA]  }
0x2a: {  	p0 =	seq.s32 s5, $0x0;
	s5 =	sld [smem:$0x3FAB]  }
0x2b: {  	s6 =	sld [smem:$0x3FAC]  }
0x2c: {  	s7 =	sld [smem:$0x3FAD]  }
0x2d: {  	s3 =	simm.s32 $0x108;
	s8 =	sld [smem:$0x3FAE]  }
0x2e: {  	s3 =	simm.s32 @!p0 $0x1082;
	s9 =	sld [smem:$0x3FAF]  }
0x2f: {  	lr =	sadd.s32 s0, s3;
	s0 =	sld [smem:$0x3FA6]  }
0x30: {  	s3 =	sld [smem:$0x3FA9]  }
0x31: {  	[smem:$0x3FB2] =	sst s10  }
0x32: {  	s10 =	sld [smem:$0x3FB0];
	_ =	sdelay $0x3  }
0x33: {  	p0 =	seq.s32 s10, $0x1;
	s10 =	sld [smem:$0x3FB2];
	_ =	sdelay $0x3  }
0x34: {  	[smem:$0x3FB2] =	sst s10  }
0x35: {  	s10 =	sld [smem:$0x3FB1];
	_ =	sdelay $0x3  }
0x36: {  	p1 =	seq.s32 s10, $0x1;
	s10 =	sld [smem:$0x3FB2];
	_ =	sdelay $0x3  }
0x37: {  	[smem:$0x3FB2] =	sst s10  }
0x38: {  	s10 =	sld [smem:$0x3FB3]  }
0x39: {  	_ = 	snop;
	(pc) =	sbr.ind lr, $3  }
0x3a: {  	_ = 	snop  }
0x3b: {  	_ = 	snop  }
0x3c: {  	p2 =	seq.s32 s10, $0x1;
	s10 =	sld [smem:$0x3FB2]  }
0x3d: {  	_ =	shalt  }
0x3e: {  	_ =	shalt  }
0x3f: {  	_ =	shalt  }
0x40: {  	_ =	shalt  }
0x41: {  	_ =	shalt  }
0x42: {  	_ =	shalt  }
0x43: {  	_ =	shalt  }
0x44: {  	_ =	shalt  }
0x45: {  	_ =	shalt  }
0x46: {  	_ =	shalt  }
0x47: {  	_ =	shalt  }
0x48: {  	_ =	shalt  }
0x49: {  	_ =	shalt  }
0x4a: {  	_ =	shalt  }
0x4b: {  	_ =	shalt  }
0x4c: {  	_ =	shalt  }
0x4d: {  	_ =	shalt  }
0x4e: {  	_ =	shalt  }
0x4f: {  	_ =	shalt  }
0x50: {  	_ =	shalt  }
0x51: {  	_ =	shalt  }
0x52: {  	_ =	shalt  }
0x53: {  	_ =	shalt  }
0x54: {  	_ =	shalt  }
0x55: {  	_ =	shalt  }
0x56: {  	_ =	shalt  }
0x57: {  	_ =	shalt  }
0x58: {  	_ =	shalt  }
0x59: {  	_ =	shalt  }
0x5a: {  	_ =	shalt  }
0x5b: {  	_ =	shalt  }
0x5c: {  	_ =	shalt  }
0x5d: {  	_ =	shalt  }
0x5e: {  	_ =	shalt  }
0x5f: {  	_ =	shalt  }
0x60: {  	_ =	shalt  }
0x61: {  	_ =	shalt  }
0x62: {  	_ =	shalt  }
0x63: {  	_ =	shalt  }
0x64: {  	_ =	shalt  }
0x65: {  	_ =	shalt  }
0x66: {  	_ =	shalt  }
0x67: {  	_ =	shalt  }
0x68: {  	_ =	shalt  }
0x69: {  	_ =	shalt  }
0x6a: {  	_ =	shalt  }
0x6b: {  	_ =	shalt  }
0x6c: {  	_ =	shalt  }
0x6d: {  	_ =	shalt  }
0x6e: {  	_ =	shalt  }
0x6f: {  	_ =	shalt  }
0x70: {  	_ =	shalt  }
0x71: {  	_ =	shalt  }
0x72: {  	_ =	shalt  }
0x73: {  	_ =	shalt  }
0x74: {  	_ =	shalt  }
0x75: {  	_ =	shalt  }
0x76: {  	_ =	shalt  }
0x77: {  	_ =	shalt  }
0x78: {  	_ =	shalt  }
0x79: {  	_ =	shalt  }
0x7a: {  	_ =	shalt  }
0x7b: {  	_ =	shalt  }
0x7c: {  	_ =	shalt  }
0x7d: {  	_ =	shalt  }
0x7e: {  	_ =	shalt  }
0x7f: {  	_ =	shalt  }
0x80: {  	_ =	shalt  }
0x81: {  	_ =	shalt  }
0x82: {  	_ =	shalt  }
0x83: {  	_ =	shalt  }
0x84: {  	_ =	shalt  }
0x85: {  	_ =	shalt  }
0x86: {  	_ =	shalt  }
0x87: {  	_ =	shalt  }
.Lfunc_end0:
.L_simem_size_0:
called_computation_lowered:
.L_overlay_start_0:
0x88: {  	s2 =	sld [smem:$0x3FD9]  }
0x89: {  	s3 =	sld [smem:$0x3FFE];
	_ =	sdelay $0x1  }
0x8a: {  	s1 =	srdreg.scid  }
0x8b: {  	s0 =	sand.u32 $0x1, s1  }
0x8c: {  	s17 =	sshll.u32 s0, $0xA;
	s2 =	sadd.s32 s3, s2  }
0x8d: {  	s2 =	sadd.s32 s2, s17  }
0x8e: {  	[smem:$0x3FBE] =	sst s2  }
0x8f: {  	_ = 	snop  }
0x90: {  	s2 =	sld [smem:$0x3FD0];
	(tm) =	ssettm $0x1  }
0x91: {  	s18 =	sld [smem:$0x3FFB];
	_ =	sdelay $0x3  }
0x92: {  	_ =	strace s18  }
0x93: {  	s3 =	sld [smem:$0x3FFC];
	_ =	sdelay $0x3  }
0x94: {  	_ =	strace s3  }
0x95: {  	s3 =	sld [smem:$0x3FFD];
	_ =	sdelay $0x3  }
0x96: {  	_ =	strace s3  }
0x97: {  	_ =	strace $0x8FFFFFFF  }
0x98: {  	s19 =	sld [smem:$0x3FDB];
	_ =	sdelay $0x1  }
0x99: {  	s4 =	simm.s32 $_scs_section_size  }
0x9a: {  	s5 =	simm.s32 $_size__tile_overlayer_lowered;
	s6 =	simm.s32 $_tile_overlayer_lowered  }
0x9b: {  	s22 =	simm.s32 $0x1BFF;
	s21 =	sshll.u32 s6, $0x1;
	s3 =	sadd.s32 s4, s19  }
0x9c: {  	s7 =	simm.s32 $0x0;
	s20 =	sshll.u32 s5, $0x1;
	s5 =	sadd.s32 s21, s3  }
0x9d: {  	[timem:s7], [sflag:s22] =	dma.local [hbm:s5], s20  }
0x9e: {  	_ =	swait.ge [sflag:s22], s20  }
0x9f: {  	s4 =	ssub.s32 $0x0, s20;
	[sflag:s22] =	ssyncset.done $0x0  }
0xa0: {  	[sflag:s22] =	ssyncadd.s32 s4;
	_ =	sdelay $0x1  }
0xa1: {  	s23 =	simm.s32 $0x1B8B  }
0xa2: {  	_ =	swait.ge [sflag:s23], $0x1  }
0xa3: {  	[sflag:s23] =	ssyncset.done $0x0  }
0xa4: {  	s25 =	simm.s32 $0x1B8E;
	s24 =	sld [smem:$0x3FFE];
	[sflag:s23] =	ssyncadd.s32 $0xFFFFFFFF  }
0xa5: {  	s26 =	simm.s32 $execute0_lowered;
	[smem:$0x3FD2] =	sst s25  }
0xa6: {  	s5 =	sshll.u32 s26, $0x1;
	_ =	strace $0x80000046;
	[dreg:$0x1] =	wrdreg $0xFFFFFFFF  }
0xa7: {  	s28 =	simm.s32 $_size_execute0_lowered;
	s3 =	sadd.s32 s3, s5;
	[dreg:$0x0] =	wrdreg $0x0  }
0xa8: {  	s5 =	sshll.u32 s28, $0x1;
	[dreg:$0x2] =	wrdreg s3  }
0xa9: {  	[dreg:$0x3] =	wrdreg s5  }
0xaa: {  	[dreg:$0x4] =	wrdreg $0xC0  }
0xab: {  	_ =	task [dreg:s7], $0x5FFFF  }
0xac: {  	[dreg:$0x1] =	wrdreg $0xFFFFFFFF  }
0xad: {  	[dreg:$0x0] =	wrdreg $0x60  }
0xae: {  	[dreg:$0x2] =	wrdreg s2  }
0xaf: {  	[dreg:$0x3] =	wrdreg s24  }
0xb0: {  	[dreg:$0x4] =	wrdreg $0x90000  }
0xb1: {  	[dreg:$0x5] =	wrdreg $0x12C400  }
0xb2: {  	[dreg:$0x6] =	wrdreg $0x1D2400  }
0xb3: {  	[dreg:$0x7] =	wrdreg $0x9  }
0xb4: {  	_ =	task.clear_ibuf [dreg:s7], $0x8FFFF;
	_ =	strace $0x90000046  }
0xb5: {  	s29 =	simm.s32 $0x9;
	_ =	strace $0x80000048  }
0xb6: {  	_ =	swait.ge [sflag:s29], $0x1  }
0xb7: {  	[sflag:s29] =	ssyncadd.s32 $0xFFFFFFFF  }
0xb8: {  	_ =	strace $0x90000048  }
0xb9: {  	_ =	sfence  }
0xba: {  	s30 =	sld [smem:$0x0];
	_ =	sdelay $0x2  }
0xbb: {  	s31 =	sshll.u32 s1, $0xD;
	s1 =	sshrl.u32 s1, $0x2  }
0xbc: {  	s3 =	sand.u32 $0x4000, s31;
	s1 =	sadd.s32 s1, s30  }
0xbd: {  	s0 =	sor.u32 s3, s0;
	s1 =	sshll.u32 s1, $0x11  }
0xbe: {  	s0 =	sor.u32 s1, s0  }
0xbf: {  	s0 =	sadd.s32 $0x8F2B, s0  }
0xc0: {  	[sflag:s0] =	ssyncadd.remote.s32 $0x1  }
0xc1: {  	_ =	sfence.sel $0xFFFF  }
0xc2: {  	[dreg:$0x0] =	wrdreg $0xFFFFFFFF;
	(pc) =	sbr.abs _section_cstart, $3  }
0xc3: {  	[dreg:$0x1] =	wrdreg $0xFFFFFFFF  }
0xc4: {  	_ =	task.clear_ibuf [dreg:s7], $0x2FFFF;
	_ =	strace $0x9FFFFFFF  }
0xc5: {  	(tm) =	ssettm $0x7FFFFFFF  }
tec
execute0_lowered:
.L_overlay_start_1:
0x0: {  	(tag) =	ssettag $0x1  }
0x1: {  	s0 =	srdreg.scid;
	s1 =	rddreg [dreg:$0x0]  }
0x2: {  	s10 =	rddreg [dreg:$0x1];
	s23 =	stileid.u32  }
0x3: {  	s2 =	rddreg [dreg:$0x2];
	s5 =	simm.s32 $0x0;
	s20 =	simm.s32 $0x1CA40  }
0x4: {  	s21 =	simm.s32 $0x2800;
	s22 =	simm.s32 $0x80;
	s11 =	smul.u32 $0x9E00, s23  }
0x5: {  	s28 =	simm.s32 $0x4F00;
	s29 =	simm.s32 $0x4F80;
	s12 =	smul.u32 $0x2780, s23  }
0x6: {  	s30 =	simm.s32 $0x0;
	s9 =	sand.u32 $0x1, s0;
	s16 =	smul.u32 $0x9C40, s23  }
0x7: {  	[smem:$0x7FF] =	sst s5;
	s7 =	sadd.s32 $0x15A00, s10;
	s8 =	smul.u32 $0x9E000, s9  }
0x8: {  	s26 =	sshll.u32 s23, $0x6;
	s3 =	sshll.u32 s9, $0x4;
	s14 =	smul.u32 $0x27800, s9  }
0x9: {  	s9 =	ssub.s32 $0x2, s9;
	s4 =	sor.u32 s23, s3;
	s3 =	rddreg [dreg:$0x3]  }
0xa: {  	s24 =	sshrl.u32 s9, $0x1;
	s25 =	sshrl.u32 s16, $0x3;
	s16 =	sadd.s32 s16, s2  }
0xb: {  	s23 =	simm.s32 $0x5000;
	s6 =	smul.u32 $0x500, s4;
	s4 =	rddreg [dreg:$0x4]  }
0xc: {  	_ =	strace $0x80000047;
	s15 =	sadd.s32 s11, s8;
	s8 =	sadd.s32 $0x15800, s10  }
0xd: {  	s14 =	sadd.s32 s12, s14;
	s17 =	ssub.s32 s9, s24;
	s9 =	sadd.s32 s1, s25  }
0xe: {  	s31 =	sadd.s32 s11, s3;
	s16 =	sshrl.u32 s16, $0x3;
	s24 =	simm.s32 $0x7000  }
0xf: {  	s25 =	simm.s32 $0x1;
	s15 =	sshrl.u32 s15, $0x3;
	s14 =	sshrl.u32 s14, $0x3  }
0x10: {  	s19 =	sadd.s32 s12, s4;
	s18 =	sshrl.u32 s31, $0x3;
	s13 =	sadd.s32 s6, s10  }
0x11: {  	s6 =	sadd.s32 $0x16000, s10;
	s15 =	sadd.s32 s15, s10;
	s14 =	sadd.s32 s14, s10  }
0x12: {  	s10 =	sor.u32 $0x1C03, s26;
	s19 =	sshrl.u32 s19, $0x3;
	s26 =	simm.s32 $0x2  }
0x13: {  	s11 =	sadd.s32 $0xB800, s13;
	s12 =	sadd.s32 $0x1800, s13;
	s13 =	sadd.s32 $0x17400, s15  }
0x14: {  	s14 =	sadd.s32 $0x3EC00, s14;
	s15 =	smax.u32 s17, $0x1;
	s17 =	simm.s32 $0x3  }
.LBB2_1:
0x15: {  	[spmem:s16], [sflag:s10] =	dma.local [hbm:s9], $0x1388  }
0x16: {  	_ =	swait.ge [sflag:s17], $0x1388  }
0x17: {  	[sflag:s17] =	ssyncset.done $0x0  }
0x18: {  	[sflag:s17] =	ssyncadd.s32 $0xFFFFEC78  }
0x19: {  	[spmem:s18], [sflag:s10] =	dma.local [hbm:s6], $0x13C0  }
0x1a: {  	_ =	swait.ge [sflag:s17], $0x13C0  }
0x1b: {  	[sflag:s17] =	ssyncset.done $0x0  }
0x1c: {  	[sflag:s17] =	ssyncadd.s32 $0xFFFFEC40  }
0x1d: {  	[spmem:s19], [sflag:s10] =	dma.local [hbm:s7], $0x4F0  }
0x1e: {  	_ =	swait.ge [sflag:s17], $0x4F0  }
0x1f: {  	[sflag:s17] =	ssyncset.done $0x0  }
0x20: {  	[sflag:s17] =	ssyncadd.s32 $0xFFFFFB10  }
0x21: {  	[tilespmem:s20], [sflag:$0x3] =	stream.linear.gather [hbm4b:s8+s5], $0x800, $0x38;
	[tilespmem:$0x1F9C0] =	vst v63  }
0x22: {  	_ =	swait.ge [sflag:s17], $0x800  }
0x23: {  	[sflag:s17] =	ssyncset.done $0x0  }
0x24: {  	[sflag:s17] =	ssyncadd.s32 $0xFFFFF800  }
0x25: {  	[tilespmem:s5], [sflag:$0x3] =	stream.linear.gather [hbm4b:s11+s5], $0x2800, $0x38;
	[tilespmem:$0x1F9C0] =	vst v63  }
0x26: {  	_ =	swait.ge [sflag:s17], $0x2800  }
0x27: {  	[sflag:s17] =	ssyncset.done $0x0  }
0x28: {  	[sflag:s17] =	ssyncadd.s32 $0xFFFFD800  }
0x29: {  	[tilespmem:s21], [sflag:$0x3] =	stream.linear.gather [hbm4b:s12+s5], $0x2800, $0x38;
	[tilespmem:$0x1F9C0] =	vst v63  }
0x2a: {  	_ =	swait.ge [sflag:s17], $0x2800  }
0x2b: {  	[sflag:s17] =	ssyncset.done $0x0  }
0x2c: {  	[sflag:s17] =	ssyncadd.s32 $0xFFFFD800  }
0x2d: {  	[bflag:$0x0] =	sbarrier.arrive $0xFFFF  }
0x2e: {  	[tilespmem:s23], [sflag:$0x1] =	stream.indirect.gather [spmem:s2], $0x40, s5, s22, $0xb8;
	[tilespmem:$0x1F9C0] =	vst v63  }
0x2f: {  	_ = 	snop  }
0x30: {  	[tilespmem:s24], [sflag:$0x2] =	stream.indirect.gather [spmem:s2], $0x40, s22, s22, $0xb8;
	[tilespmem:$0x1F9C0] =	vst v63  }
0x31: {  	_ =	swait.ge [sflag:s25], $0x2000  }
0x32: {  	[sflag:s25] =	ssyncset.done $0x0  }
0x33: {  	s1 =	simm.s32 $0x2800;
	[sflag:s25] =	ssyncadd.s32 $0xFFFFE000  }
0x34: {  	[spmem:s3] =	stream.indirect.scatter.add.f32 [tilespmem:s23], [sflag:$0x3], $0x40, s1, s22, $0xb8;
	[tilespmem:$0x1F9C0] =	vst v63  }
0x35: {  	_ =	swait.ge [sflag:s17], $0x2000  }
0x36: {  	[sflag:s17] =	ssyncset.done $0x0  }
0x37: {  	[sflag:s17] =	ssyncadd.s32 $0xFFFFE000  }
0x38: {  	[spmem:s4] =	stream.indirect.scatter.add.f32 [tilespmem:s20], [sflag:$0x3], $0x10, s1, s22, $0xb8;
	[tilespmem:$0x1F9C0] =	vst v63  }
0x39: {  	_ =	swait.ge [sflag:s17], $0x800  }
0x3a: {  	[sflag:s17] =	ssyncset.done $0x0  }
0x3b: {  	s0 =	simm.s32 $0x100;
	[sflag:s17] =	ssyncadd.s32 $0xFFFFF800  }
0x3c: {  	[tilespmem:s23], [sflag:$0x1] =	stream.indirect.gather [spmem:s2], $0x40, s0, s22, $0xb8;
	[tilespmem:$0x1F9C0] =	vst v63  }
0x3d: {  	_ =	swait.ge [sflag:s26], $0x2000  }
0x3e: {  	[sflag:s26] =	ssyncset.done $0x0  }
0x3f: {  	s0 =	simm.s32 $0x2880;
	[sflag:s26] =	ssyncadd.s32 $0xFFFFE000  }
0x40: {  	[spmem:s3] =	stream.indirect.scatter.add.f32 [tilespmem:s24], [sflag:$0x3], $0x40, s0, s22, $0xb8;
	[tilespmem:$0x1F9C0] =	vst v63  }
0x41: {  	_ =	swait.ge [sflag:s17], $0x2000  }
0x42: {  	[sflag:s17] =	ssyncset.done $0x0  }
0x43: {  	[sflag:s17] =	ssyncadd.s32 $0xFFFFE000  }
0x44: {  	[spmem:s4] =	stream.indirect.scatter.add.f32 [tilespmem:s20], [sflag:$0x3], $0x10, s0, s22, $0xb8;
	[tilespmem:$0x1F9C0] =	vst v63  }
0x45: {  	_ =	swait.ge [sflag:s17], $0x800  }
0x46: {  	[sflag:s17] =	ssyncset.done $0x0  }
0x47: {  	s31 =	simm.s32 $0x400;
	s1 =	simm.s32 $0x180;
	[sflag:s17] =	ssyncadd.s32 $0xFFFFF800  }
.LBB2_2:
0x48: {  	[tilespmem:s24], [sflag:$0x2] =	stream.indirect.gather [spmem:s2], $0x40, s1, s22, $0xb8;
	[tilespmem:$0x1F9C0] =	vst v63  }
0x49: {  	s1 =	smov.u32 s31  }
0x4a: {  	p0 =	sne.s32 s31, $0x9800;
	s31 =	sadd.s32 $0x400, s31;
	_ =	swait.ge [sflag:s25], $0x2000  }
0x4b: {  	s1 =	sshra.s32 s1, $0x2;
	[sflag:s25] =	ssyncset.done $0x0  }
0x4c: {  	s0 =	sadd.s32 $0x2800, s1;
	[sflag:s25] =	ssyncadd.s32 $0xFFFFE000  }
0x4d: {  	[spmem:s3] =	stream.indirect.scatter.add.f32 [tilespmem:s23], [sflag:$0x3], $0x40, s0, s22, $0xb8;
	[tilespmem:$0x1F9C0] =	vst v63  }
0x4e: {  	_ =	swait.ge [sflag:s17], $0x2000  }
0x4f: {  	[sflag:s17] =	ssyncset.done $0x0  }
0x50: {  	[sflag:s17] =	ssyncadd.s32 $0xFFFFE000  }
0x51: {  	[spmem:s4] =	stream.indirect.scatter.add.f32 [tilespmem:s20], [sflag:$0x3], $0x10, s0, s22, $0xb8;
	[tilespmem:$0x1F9C0] =	vst v63  }
0x52: {  	_ =	swait.ge [sflag:s17], $0x800  }
0x53: {  	[sflag:s17] =	ssyncset.done $0x0  }
0x54: {  	s0 =	sadd.s32 $0x100, s1;
	[sflag:s17] =	ssyncadd.s32 $0xFFFFF800  }
0x55: {  	[tilespmem:s23], [sflag:$0x1] =	stream.indirect.gather [spmem:s2], $0x40, s0, s22, $0xb8;
	[tilespmem:$0x1F9C0] =	vst v63  }
0x56: {  	_ =	swait.ge [sflag:s26], $0x2000  }
0x57: {  	[sflag:s26] =	ssyncset.done $0x0  }
0x58: {  	s0 =	sadd.s32 $0x2880, s1;
	[sflag:s26] =	ssyncadd.s32 $0xFFFFE000  }
0x59: {  	[spmem:s3] =	stream.indirect.scatter.add.f32 [tilespmem:s24], [sflag:$0x3], $0x40, s0, s22, $0xb8;
	[tilespmem:$0x1F9C0] =	vst v63  }
0x5a: {  	_ =	swait.ge [sflag:s17], $0x2000  }
0x5b: {  	[sflag:s17] =	ssyncset.done $0x0  }
.Ltmp0:
0x5c: {  	[sflag:s17] =	ssyncadd.s32 $0xFFFFE000;
	(pc) =	sbr.rel @p0 .LBB2_2-.Ltmp0, $4  }
0x5d: {  	[spmem:s4] =	stream.indirect.scatter.add.f32 [tilespmem:s20], [sflag:$0x3], $0x10, s0, s22, $0xb8;
	[tilespmem:$0x1F9C0] =	vst v63  }
0x5e: {  	_ =	swait.ge [sflag:s17], $0x800  }
0x5f: {  	[sflag:s17] =	ssyncset.done $0x0  }
0x60: {  	s1 =	sadd.s32 $0x180, s1;
	[sflag:s17] =	ssyncadd.s32 $0xFFFFF800  }
0x61: {  	[tilespmem:s24], [sflag:$0x2] =	stream.indirect.gather [spmem:s2], $0x40, s1, s22, $0xb8;
	[tilespmem:$0x1F9C0] =	vst v63  }
0x62: {  	_ =	swait.ge [sflag:s25], $0x2000  }
0x63: {  	[sflag:s25] =	ssyncset.done $0x0  }
0x64: {  	[sflag:s25] =	ssyncadd.s32 $0xFFFFE000  }
0x65: {  	[spmem:s3] =	stream.indirect.scatter.add.f32 [tilespmem:s23], [sflag:$0x3], $0x40, s28, s22, $0xb8;
	[tilespmem:$0x1F9C0] =	vst v63  }
0x66: {  	_ =	swait.ge [sflag:s17], $0x2000  }
0x67: {  	[sflag:s17] =	ssyncset.done $0x0  }
0x68: {  	[sflag:s17] =	ssyncadd.s32 $0xFFFFE000  }
0x69: {  	[spmem:s4] =	stream.indirect.scatter.add.f32 [tilespmem:s20], [sflag:$0x3], $0x10, s28, s22, $0xb8;
	[tilespmem:$0x1F9C0] =	vst v63  }
0x6a: {  	_ =	swait.ge [sflag:s17], $0x800  }
0x6b: {  	[sflag:s17] =	ssyncset.done $0x0  }
0x6c: {  	[sflag:s17] =	ssyncadd.s32 $0xFFFFF800  }
0x6d: {  	_ =	swait.ge [sflag:s26], $0x2000  }
0x6e: {  	[sflag:s26] =	ssyncset.done $0x0  }
0x6f: {  	[sflag:s26] =	ssyncadd.s32 $0xFFFFE000  }
0x70: {  	[spmem:s3] =	stream.indirect.scatter.add.f32 [tilespmem:s24], [sflag:$0x3], $0x40, s29, s22, $0xb8;
	[tilespmem:$0x1F9C0] =	vst v63  }
0x71: {  	_ =	swait.ge [sflag:s17], $0x2000  }
0x72: {  	[sflag:s17] =	ssyncset.done $0x0  }
0x73: {  	[sflag:s17] =	ssyncadd.s32 $0xFFFFE000  }
0x74: {  	[spmem:s4] =	stream.indirect.scatter.add.f32 [tilespmem:s20], [sflag:$0x3], $0x10, s29, s22, $0xb8;
	[tilespmem:$0x1F9C0] =	vst v63  }
0x75: {  	_ =	swait.ge [sflag:s17], $0x800  }
0x76: {  	[sflag:s17] =	ssyncset.done $0x0  }
0x77: {  	[sflag:s17] =	ssyncadd.s32 $0xFFFFF800  }
0x78: {  	[bflag:$0x0] =	sbarrier.arrive $0xFFFF  }
0x79: {  	[hbm:s13], [sflag:s10] =	dma.local [spmem:s18], $0x13C0  }
0x7a: {  	s30 =	sadd.s32 $0x1, s30;
	_ =	swait.ge [sflag:s17], $0x13C0  }
0x7b: {  	p0 =	sne.s32 s30, s15;
	[sflag:s17] =	ssyncset.done $0x0  }
.Ltmp1:
0x7c: {  	[sflag:s17] =	ssyncadd.s32 $0xFFFFEC40;
	(pc) =	sbr.rel @p0 .LBB2_1-.Ltmp1, $4  }
0x7d: {  	[hbm:s14], [sflag:s10] =	dma.local [spmem:s19], $0x4F0  }
0x7e: {  	_ =	swait.ge [sflag:s17], $0x4F0  }
0x7f: {  	[sflag:s17] =	ssyncset.done $0x0  }
0x80: {  	[sflag:s17] =	ssyncadd.s32 $0xFFFFFB10  }
0x81: {  	_ =	sfence.sel $0x180000  }
0x82: {  	[bflag:$0x0] =	sbarrier.arrive $0xFFFF  }
0x83: {  	_ =	strace $0x90000047  }
0x84: {  	s0 =	stileid.u32;
	[bflag:$0x2] =	sbarrier.arrive $0xFFFF  }
0x85: {  	p0 =	sne.s32 s0, $0x0;
	s0 =	rddreg [dreg:$0x5]  }
0x86: {  	s0 =	sadd.s32 @!p0 $0x100000, s0  }
0x87: {  	[sflag:s0] =	ssyncadd.tile.s32 @!p0 $0x1;
	_ =	shalt  }
.Lfunc_end2:
_tile_overlayer_lowered:
.L_overlay_start_2:
0x88: {  	(tag) =	ssettag $0x2  }
0x89: {  	s0 =	rddreg [dreg:$0x0];
	s2 =	stileid.u32  }
0x8a: {  	s1 =	rddreg [dreg:$0x1];
	p0 =	sne.s32 s2, $0x0  }
0x8b: {  	s3 =	rddreg [dreg:$0x2];
	[bflag:$0x3] =	sbarrier.arrive $0xFFFF;
	s2 =	simm.s32 @!p0 $0x1C03  }
0x8c: {  	[timem:s3], [sflag:s2] =	dma.local @!p0 [hbm:s0], s1  }
0x8d: {  	s0 =	simm.s32 @!p0 $0x3  }
0x8e: {  	_ =	swait.ge @!p0 [sflag:s0], s1  }
0x8f: {  	s1 =	ssub.s32 @!p0 $0x0, s1;
	[sflag:s0] =	ssyncset.done @!p0 $0x0  }
0x90: {  	[sflag:s0] =	ssyncadd.s32 @!p0 s1  }
0x91: {  	[bflag:$0x3] =	sbarrier.arrive $0xFFFF  }
0x92: {  	_ =	shalt  }

</sc_bundles>
